<compile_context>
chip_gen: v7x
topology: tpu7x:2x2x1
jax: 0.10.2.dev20260603
libtpu: 0.0.44.dev20260713+nightly
codegen_flags: <defaults>
</compile_context>

<pallas_src>
import functools

import jax
import jax.numpy as jnp
from jax import lax
from jax.experimental import pallas as pl
from jax.experimental.pallas import tpu as pltpu
from jax.experimental.pallas import tpu_sc as plsc

_LANES = 16
_CHUNK = 8192
_TILE = 128
_UNROLL = 8


@functools.lru_cache(maxsize=None)
def _build(n_rows: int, n_tab: int):
    info = plsc.get_sparse_core_info()
    nc, ns = info.num_cores, info.num_subcores
    nw = nc * ns
    n_bulk = n_rows // _CHUNK
    tail_base = n_bulk * _CHUNK
    tail_pad = (-(n_rows - tail_base)) % _TILE
    tail_rows = n_rows - tail_base + tail_pad
    tail_valid = n_rows - tail_base
    max_chunks = (n_bulk + nw - 1) // nw

    mesh = plsc.VectorSubcoreMesh(core_axis_name="c", subcore_axis_name="s")

    @functools.partial(
        pl.kernel,
        mesh=mesh,
        out_type=jax.ShapeDtypeStruct((2, n_rows), jnp.float32),
        scratch_types=[
            pltpu.VMEM((2, n_tab), jnp.float32),
            pltpu.VMEM((_CHUNK,), jnp.int32),
            pltpu.VMEM((_CHUNK,), jnp.int32),
            pltpu.VMEM((2, _CHUNK), jnp.float32),
            pltpu.VMEM((2, _CHUNK), jnp.float32),
            pltpu.VMEM((2, _CHUNK), jnp.float32),
            pltpu.VMEM((2, _CHUNK), jnp.float32),
            pltpu.SemaphoreType.DMA,
            pltpu.SemaphoreType.DMA,
            pltpu.SemaphoreType.DMA,
            pltpu.SemaphoreType.DMA,
        ],
        compiler_params=pltpu.CompilerParams(needs_layout_passes=False),
    )
    def k(dp_hbm, nums_hbm, tab_hbm, out_hbm, tab_v,
          nums0, nums1, dpb0, dpb1, ob0, ob1, si0, si1, so0, so1):
        wid = lax.axis_index("s") * nc + lax.axis_index("c")

        nums_b, dp_b, out_b = (nums0, nums1), (dpb0, dpb1), (ob0, ob1)
        si, so = (si0, si1), (so0, so1)

        my_chunks = (n_bulk - wid + nw - 1) // nw

        def base_of(i):
            return (wid + i * nw) * _CHUNK

        def in_descs(i, b):
            base = base_of(i)
            return (
                pltpu.make_async_copy(
                    nums_hbm.at[pl.ds(base, _CHUNK)], nums_b[b], si[b]),
                pltpu.make_async_copy(
                    dp_hbm.at[:, pl.ds(base, _CHUNK)], dp_b[b], si[b]),
            )

        def out_desc(i, b):
            return pltpu.make_async_copy(
                out_b[b], out_hbm.at[:, pl.ds(base_of(i), _CHUNK)], so[b])

        def run_block(nums_v, dp_v, out_v, rows, clamp):
            @plsc.parallel_loop(0, rows, step=_LANES, unroll=_UNROLL)
            def vec_body(s):
                nd = nums_v[pl.ds(s, _LANES)]
                if clamp:
                    nd = jnp.minimum(jnp.maximum(nd, 0), n_tab - 1)
                t0 = plsc.load_gather(tab_v.at[0], [nd])
                t1 = plsc.load_gather(tab_v.at[1], [nd])
                m0 = jnp.exp(jnp.minimum(jnp.maximum(dp_v[0, pl.ds(s, _LANES)], -4.0), 4.0))
                m1 = jnp.exp(jnp.minimum(jnp.maximum(dp_v[1, pl.ds(s, _LANES)], -4.0), 4.0))
                out_v[0, pl.ds(s, _LANES)] = t0 * m0
                out_v[1, pl.ds(s, _LANES)] = t1 * m1

        tab_copy = pltpu.make_async_copy(tab_hbm, tab_v, so0)
        tab_copy.start()
        for d in in_descs(0, 0):
            d.start()
        tab_copy.wait()
        for i in range(max_chunks):
            b = i % 2

            if i + 1 < max_chunks:
                @pl.when(i + 1 < my_chunks)
                def _(i=i, b=b):
                    for d in in_descs(i + 1, 1 - b):
                        d.start()

            @pl.when(i < my_chunks)
            def _(i=i, b=b):
                for d in in_descs(i, b):
                    d.wait()
                if i >= 2:
                    out_desc(i - 2, b).wait()
                run_block(nums_b[b], dp_b[b], out_b[b], _CHUNK, clamp=False)
                out_desc(i, b).start()

        for i in range(max_chunks):
            @pl.when((i >= my_chunks - 2) & (i < my_chunks))
            def _(i=i):
                out_desc(i, i % 2).wait()

        if tail_rows:
            @pl.when(wid == nw - 1)
            def _():
                dyn_base = (wid - wid) + tail_base
                pltpu.sync_copy(nums_hbm.at[pl.ds(tail_base, tail_valid)],
                                nums0.at[pl.ds(0, tail_valid)])
                pltpu.sync_copy(dp_hbm.at[:, pl.ds(dyn_base, tail_rows)],
                                dpb0.at[:, pl.ds(0, tail_rows)])
                run_block(nums0, dpb0, ob0, tail_rows, clamp=True)
                pltpu.sync_copy(ob0.at[:, pl.ds(0, tail_rows)],
                                out_hbm.at[:, pl.ds(dyn_base, tail_rows)])

    return k


def kernel(disp_param, numbers, disp_param0):
    n_rows = disp_param.shape[0]
    n_tab = disp_param0.shape[0]
    nums = numbers.astype(jnp.int32)
    out_t = _build(n_rows, n_tab)(disp_param.T, nums, disp_param0.T)
    return out_t.T

# --- scband reference (transcript-rebuilt; emitter-appended) ---
"""Pipeline reference for scband-disp-param-17085379903615 (READ-ONLY COPY).

The authoritative reference and input builder live on the scoring server;
editing this copy changes nothing except your own understanding.
"""

import jax, jax.numpy as jnp
import numpy as np

N = 1000000

def _build_table():
    # DispParam.__init__ with ref_c6=None, ref_alpha=None, ptfile=None
    ref = jnp.zeros((87, 2), dtype=jnp.float32)
    ref = ref.at[0, 1].set(1.0)
    return ref

def setup_inputs(seed: int = 0) -> dict:
    key = jax.random.key(seed)
    k1, k2 = jax.random.split(key)
    disp_param = jax.random.normal(k1, (N, 2), dtype=jnp.float32)
    numbers = jax.random.randint(k2, (N,), 0, 87, dtype=jnp.int64 if jax.config.jax_enable_x64 else jnp.int32)
    disp_param0 = _build_table()
    return {"disp_param": disp_param, "numbers": numbers, "disp_param0": disp_param0}

def reference(disp_param, numbers, disp_param0):
    # forward: data[key_out] = disp_param0[numbers] * exp(clamp(data[key_in], -4, 4))
    disp_param_mult = jnp.exp(jnp.clip(disp_param, -4.0, 4.0))
    gathered = jnp.take(disp_param0, numbers, axis=0)  # [N, 2] gather from [87, 2] table
    vals = gathered * disp_param_mult
    return vals

if __name__ == "__main__":
    import jax
    _d = setup_inputs()
    print(jax.jit(kernel)(*tuple(_d.values())))

</pallas_src>

<mosaic_0001>
#map = affine_map<(d0, d1) -> (0, 0)>
#map1 = affine_map<(d0, d1) -> (0)>
module attributes {stable_mosaic.version = 14 : i64} {
  func.func @k(%arg0: i32, %arg1: i32, %arg2: memref<2x1000000xf32, #tpu.memory_space<hbm>>, %arg3: memref<1000000xi32, #tpu.memory_space<hbm>>, %arg4: memref<2x87xf32, #tpu.memory_space<hbm>>, %arg5: memref<2x1000000xf32, #tpu.memory_space<hbm>>, %arg6: memref<2x87xf32, #tpu.memory_space<vmem>>, %arg7: memref<8192xi32, #tpu.memory_space<vmem>>, %arg8: memref<8192xi32, #tpu.memory_space<vmem>>, %arg9: memref<2x8192xf32, #tpu.memory_space<vmem>>, %arg10: memref<2x8192xf32, #tpu.memory_space<vmem>>, %arg11: memref<2x8192xf32, #tpu.memory_space<vmem>>, %arg12: memref<2x8192xf32, #tpu.memory_space<vmem>>, %arg13: memref<!tpu.dma_semaphore, #tpu.memory_space<semaphore_mem>>, %arg14: memref<!tpu.dma_semaphore, #tpu.memory_space<semaphore_mem>>, %arg15: memref<!tpu.dma_semaphore, #tpu.memory_space<semaphore_mem>>, %arg16: memref<!tpu.dma_semaphore, #tpu.memory_space<semaphore_mem>>) attributes {dimension_semantics = [#tpu.dimension_semantics<core_parallel>, #tpu.dimension_semantics<subcore_parallel>], iteration_bounds = array<i64: 2, 16>, scalar_prefetch = 0 : i64, scratch_operands = 11 : i64, tpu.core_type = #tpu.core_type<sc_vector_subcore>, window_params = [{transform_indices = #map}, {transform_indices = #map1}, {transform_indices = #map}, {transform_indices = #map}]} {
    %mul3A = arith.constant 2 : i32
    %mul3A_0 = arith.muli %arg1, %mul3A : i32
    %add3A = arith.addi %mul3A_0, %arg0 : i32
    %sub3A = arith.constant 122 : i32
    %sub3A_1 = arith.subi %sub3A, %add3A : i32
    %add3A_2 = arith.constant 32 : i32
    %add3A_3 = arith.addi %sub3A_1, %add3A_2 : i32
    %sub3A_4 = arith.constant 1 : i32
    %sub3A_5 = arith.subi %add3A_3, %sub3A_4 : i32
    %jit3A = arith.constant 32 : i32
    %div3A = arith.divsi %sub3A_5, %jit3A : i32
    %sign3A = arith.constant 0 : i32
    %sign3A_6 = arith.cmpi sgt, %sub3A_5, %sign3A : i32
    %sign3A_7 = arith.extui %sign3A_6 : i1 to i32
    %sign3A_8 = arith.constant 0 : i32
    %sign3A_9 = arith.cmpi slt, %sub3A_5, %sign3A_8 : i32
    %sign3A_10 = arith.extui %sign3A_9 : i1 to i32
    %sign3A_11 = arith.subi %sign3A_7, %sign3A_10 : i32
    %sign3A_12 = arith.constant 0 : i32
    %sign3A_13 = arith.cmpi sgt, %jit3A, %sign3A_12 : i32
    %sign3A_14 = arith.extui %sign3A_13 : i1 to i32
    %sign3A_15 = arith.constant 0 : i32
    %sign3A_16 = arith.cmpi slt, %jit3A, %sign3A_15 : i32
    %sign3A_17 = arith.extui %sign3A_16 : i1 to i32
    %sign3A_18 = arith.subi %sign3A_14, %sign3A_17 : i32
    %ne3A = arith.cmpi ne, %sign3A_11, %sign3A_18 : i32
    %rem3A = arith.remsi %sub3A_5, %jit3A : i32
    %ne3A_19 = arith.constant 0 : i32
    %ne3A_20 = arith.cmpi ne, %rem3A, %ne3A_19 : i32
    %and3A = arith.andi %ne3A, %ne3A_20 : i1
    %sub3A_21 = arith.constant 1 : i32
    %sub3A_22 = arith.subi %div3A, %sub3A_21 : i32
    %select_n3A = arith.select %and3A, %sub3A_22, %div3A : i32
    tpu.enqueue_dma source(%arg4 : memref<2x87xf32, #tpu.memory_space<hbm>>) target(%arg6 : memref<2x87xf32, #tpu.memory_space<vmem>>) target_semaphore(%arg15 : memref<!tpu.dma_semaphore, #tpu.memory_space<semaphore_mem>>)
    %add3A_23 = arith.constant 0 : i32
    %add3A_24 = arith.addi %add3A, %add3A_23 : i32
    %mul3A_25 = arith.constant 8192 : i32
    %mul3A_26 = arith.muli %add3A_24, %mul3A_25 : i32
    %dma_start3A = tpu.memref_slice %arg3[%mul3A_26] : memref<1000000xi32, #tpu.memory_space<hbm>> -> memref<8192xi32, #tpu.memory_space<hbm>>
    %dma_start3A_27 = tpu.memref_slice %arg3[%mul3A_26] : memref<1000000xi32, #tpu.memory_space<hbm>> -> memref<8192xi32, #tpu.memory_space<hbm>>
    tpu.enqueue_dma source(%dma_start3A_27 : memref<8192xi32, #tpu.memory_space<hbm>>) target(%arg7 : memref<8192xi32, #tpu.memory_space<vmem>>) target_semaphore(%arg13 : memref<!tpu.dma_semaphore, #tpu.memory_space<semaphore_mem>>)
    %dma_start3A_28 = arith.constant 0 : i32
    %dma_start3A_29 = tpu.memref_slice %arg2[%dma_start3A_28, %mul3A_26] : memref<2x1000000xf32, #tpu.memory_space<hbm>> -> memref<2x8192xf32, #tpu.memory_space<hbm>>
    %dma_start3A_30 = arith.constant 0 : i32
    %dma_start3A_31 = tpu.memref_slice %arg2[%dma_start3A_30, %mul3A_26] : memref<2x1000000xf32, #tpu.memory_space<hbm>> -> memref<2x8192xf32, #tpu.memory_space<hbm>>
    tpu.enqueue_dma source(%dma_start3A_31 : memref<2x8192xf32, #tpu.memory_space<hbm>>) target(%arg9 : memref<2x8192xf32, #tpu.memory_space<vmem>>) target_semaphore(%arg13 : memref<!tpu.dma_semaphore, #tpu.memory_space<semaphore_mem>>)
    tpu.wait_dma2 semaphore(%arg15 : memref<!tpu.dma_semaphore, #tpu.memory_space<semaphore_mem>>) src(%arg4 : memref<2x87xf32, #tpu.memory_space<hbm>>) dst(%arg6 : memref<2x87xf32, #tpu.memory_space<vmem>>)
    %gt3A = arith.constant 1 : i32
    %gt3A_32 = arith.cmpi sgt, %select_n3A, %gt3A : i32
    %convert_element_type3A = arith.extui %gt3A_32 : i1 to i32
    %cond3A = arith.constant 0 : i32
    %cond3A_33 = arith.cmpi ne, %convert_element_type3A, %cond3A : i32
    scf.if %cond3A_33 {
      %add3A_107 = arith.constant 32 : i32
      %add3A_108 = arith.addi %add3A, %add3A_107 : i32
      %mul3A_109 = arith.constant 8192 : i32
      %mul3A_110 = arith.muli %add3A_108, %mul3A_109 : i32
      %dma_start3A_111 = tpu.memref_slice %arg3[%mul3A_110] : memref<1000000xi32, #tpu.memory_space<hbm>> -> memref<8192xi32, #tpu.memory_space<hbm>>
      %dma_start3A_112 = tpu.memref_slice %arg3[%mul3A_110] : memref<1000000xi32, #tpu.memory_space<hbm>> -> memref<8192xi32, #tpu.memory_space<hbm>>
      tpu.enqueue_dma source(%dma_start3A_112 : memref<8192xi32, #tpu.memory_space<hbm>>) target(%arg8 : memref<8192xi32, #tpu.memory_space<vmem>>) target_semaphore(%arg14 : memref<!tpu.dma_semaphore, #tpu.memory_space<semaphore_mem>>)
      %dma_start3A_113 = arith.constant 0 : i32
      %dma_start3A_114 = tpu.memref_slice %arg2[%dma_start3A_113, %mul3A_110] : memref<2x1000000xf32, #tpu.memory_space<hbm>> -> memref<2x8192xf32, #tpu.memory_space<hbm>>
      %dma_start3A_115 = arith.constant 0 : i32
      %dma_start3A_116 = tpu.memref_slice %arg2[%dma_start3A_115, %mul3A_110] : memref<2x1000000xf32, #tpu.memory_space<hbm>> -> memref<2x8192xf32, #tpu.memory_space<hbm>>
      tpu.enqueue_dma source(%dma_start3A_116 : memref<2x8192xf32, #tpu.memory_space<hbm>>) target(%arg10 : memref<2x8192xf32, #tpu.memory_space<vmem>>) target_semaphore(%arg14 : memref<!tpu.dma_semaphore, #tpu.memory_space<semaphore_mem>>)
    } else {
    }
    %gt3A_34 = arith.constant 0 : i32
    %gt3A_35 = arith.cmpi sgt, %select_n3A, %gt3A_34 : i32
    %convert_element_type3A_36 = arith.extui %gt3A_35 : i1 to i32
    %cond3A_37 = arith.constant 0 : i32
    %cond3A_38 = arith.cmpi ne, %convert_element_type3A_36, %cond3A_37 : i32
    scf.if %cond3A_38 {
      %add3A_107 = arith.constant 0 : i32
      %add3A_108 = arith.addi %add3A, %add3A_107 : i32
      %mul3A_109 = arith.constant 8192 : i32
      %mul3A_110 = arith.muli %add3A_108, %mul3A_109 : i32
      %dma_wait3A = tpu.memref_slice %arg3[%mul3A_110] : memref<1000000xi32, #tpu.memory_space<hbm>> -> memref<8192xi32, #tpu.memory_space<hbm>>
      %dma_wait3A_111 = tpu.memref_slice %arg3[%mul3A_110] : memref<1000000xi32, #tpu.memory_space<hbm>> -> memref<8192xi32, #tpu.memory_space<hbm>>
      tpu.wait_dma2 semaphore(%arg13 : memref<!tpu.dma_semaphore, #tpu.memory_space<semaphore_mem>>) src(%dma_wait3A_111 : memref<8192xi32, #tpu.memory_space<hbm>>) dst(%arg7 : memref<8192xi32, #tpu.memory_space<vmem>>)
      %dma_wait3A_112 = arith.constant 0 : i32
      %dma_wait3A_113 = tpu.memref_slice %arg2[%dma_wait3A_112, %mul3A_110] : memref<2x1000000xf32, #tpu.memory_space<hbm>> -> memref<2x8192xf32, #tpu.memory_space<hbm>>
      %dma_wait3A_114 = arith.constant 0 : i32
      %dma_wait3A_115 = tpu.memref_slice %arg2[%dma_wait3A_114, %mul3A_110] : memref<2x1000000xf32, #tpu.memory_space<hbm>> -> memref<2x8192xf32, #tpu.memory_space<hbm>>
      tpu.wait_dma2 semaphore(%arg13 : memref<!tpu.dma_semaphore, #tpu.memory_space<semaphore_mem>>) src(%dma_wait3A_115 : memref<2x8192xf32, #tpu.memory_space<hbm>>) dst(%arg9 : memref<2x8192xf32, #tpu.memory_space<vmem>>)
      %parallel_loop3A = arith.constant 0 : i32
      %parallel_loop3A_116 = arith.constant 8192 : i32
      %parallel_loop3A_117 = arith.constant 16 : i32
      scf.for %parallel_loop3A_126 = %parallel_loop3A to %parallel_loop3A_116 step %parallel_loop3A_117  : i32 {
        %parallel_loop3A_127 = arith.index_cast %parallel_loop3A_126 : i32 to index
        %parallel_loop3A_128 = tpu.vector_load %arg7[%parallel_loop3A_127] {strides = array<i32>} : memref<8192xi32, #tpu.memory_space<vmem>>, vector<16xi32>,
        %parallel_loop3A_129 = arith.constant 0 : i32
        %parallel_loop3A_130 = arith.constant 0 : i32
        %parallel_loop3A_131 = tpu.memref_slice %arg6[%parallel_loop3A_129, %parallel_loop3A_130] : memref<2x87xf32, #tpu.memory_space<vmem>> -> memref<1x87xf32, #tpu.memory_space<vmem>>
        %parallel_loop3A_132 = tpu.memref_squeeze %parallel_loop3A_131 : memref<1x87xf32, #tpu.memory_space<vmem>> -> memref<87xf32, #tpu.memory_space<vmem>>
        %parallel_loop3A_133 = tpu.vector_load_idx %parallel_loop3A_132[%parallel_loop3A_128] : memref<87xf32, #tpu.memory_space<vmem>>[vector<16xi32>], vector<16xf32>,
        %parallel_loop3A_134 = arith.constant 1 : i32
        %parallel_loop3A_135 = arith.constant 0 : i32
        %parallel_loop3A_136 = tpu.memref_slice %arg6[%parallel_loop3A_134, %parallel_loop3A_135] : memref<2x87xf32, #tpu.memory_space<vmem>> -> memref<1x87xf32, #tpu.memory_space<vmem>>
        %parallel_loop3A_137 = tpu.memref_squeeze %parallel_loop3A_136 : memref<1x87xf32, #tpu.memory_space<vmem>> -> memref<87xf32, #tpu.memory_space<vmem>>
        %parallel_loop3A_138 = tpu.vector_load_idx %parallel_loop3A_137[%parallel_loop3A_128] : memref<87xf32, #tpu.memory_space<vmem>>[vector<16xi32>], vector<16xf32>,
        %parallel_loop3A_139 = arith.constant 0 : i32
        %parallel_loop3A_140 = arith.index_cast %parallel_loop3A_139 : i32 to index
        %parallel_loop3A_141 = arith.index_cast %parallel_loop3A_126 : i32 to index
        %parallel_loop3A_142 = tpu.vector_load %arg9[%parallel_loop3A_140, %parallel_loop3A_141] {strides = array<i32>} : memref<2x8192xf32, #tpu.memory_space<vmem>>, vector<16xf32>,
        %parallel_loop3A_143 = arith.constant -4.000000e+00 : f32
        %parallel_loop3A_144 = vector.broadcast %parallel_loop3A_143 : f32 to vector<16xf32>
        %parallel_loop3A_145 = arith.maximumf %parallel_loop3A_142, %parallel_loop3A_144 : vector<16xf32>
        %parallel_loop3A_146 = arith.constant 4.000000e+00 : f32
        %parallel_loop3A_147 = vector.broadcast %parallel_loop3A_146 : f32 to vector<16xf32>
        %parallel_loop3A_148 = arith.minimumf %parallel_loop3A_145, %parallel_loop3A_147 : vector<16xf32>
        %parallel_loop3A_149 = math.exp %parallel_loop3A_148 : vector<16xf32>
        %parallel_loop3A_150 = arith.constant 1 : i32
        %parallel_loop3A_151 = arith.index_cast %parallel_loop3A_150 : i32 to index
        %parallel_loop3A_152 = arith.index_cast %parallel_loop3A_126 : i32 to index
        %parallel_loop3A_153 = tpu.vector_load %arg9[%parallel_loop3A_151, %parallel_loop3A_152] {strides = array<i32>} : memref<2x8192xf32, #tpu.memory_space<vmem>>, vector<16xf32>,
        %parallel_loop3A_154 = arith.constant -4.000000e+00 : f32
        %parallel_loop3A_155 = vector.broadcast %parallel_loop3A_154 : f32 to vector<16xf32>
        %parallel_loop3A_156 = arith.maximumf %parallel_loop3A_153, %parallel_loop3A_155 : vector<16xf32>
        %parallel_loop3A_157 = arith.constant 4.000000e+00 : f32
        %parallel_loop3A_158 = vector.broadcast %parallel_loop3A_157 : f32 to vector<16xf32>
        %parallel_loop3A_159 = arith.minimumf %parallel_loop3A_156, %parallel_loop3A_158 : vector<16xf32>
        %parallel_loop3A_160 = math.exp %parallel_loop3A_159 : vector<16xf32>
        %parallel_loop3A_161 = arith.mulf %parallel_loop3A_133, %parallel_loop3A_149 : vector<16xf32>
        %parallel_loop3A_162 = arith.constant 0 : i32
        %parallel_loop3A_163 = arith.index_cast %parallel_loop3A_162 : i32 to index
        %parallel_loop3A_164 = arith.index_cast %parallel_loop3A_126 : i32 to index
        %parallel_loop3A_165 = tpu.vector_load %arg11[%parallel_loop3A_163, %parallel_loop3A_164] {strides = array<i32>} : memref<2x8192xf32, #tpu.memory_space<vmem>>, vector<16xf32>,
        tpu.vector_store %arg11[%parallel_loop3A_163, %parallel_loop3A_164], %parallel_loop3A_161 {strides = array<i32>} : memref<2x8192xf32, #tpu.memory_space<vmem>>, vector<16xf32>,
        %parallel_loop3A_166 = arith.mulf %parallel_loop3A_138, %parallel_loop3A_160 : vector<16xf32>
        %parallel_loop3A_167 = arith.constant 1 : i32
        %parallel_loop3A_168 = arith.index_cast %parallel_loop3A_167 : i32 to index
        %parallel_loop3A_169 = arith.index_cast %parallel_loop3A_126 : i32 to index
        %parallel_loop3A_170 = tpu.vector_load %arg11[%parallel_loop3A_168, %parallel_loop3A_169] {strides = array<i32>} : memref<2x8192xf32, #tpu.memory_space<vmem>>, vector<16xf32>,
        tpu.vector_store %arg11[%parallel_loop3A_168, %parallel_loop3A_169], %parallel_loop3A_166 {strides = array<i32>} : memref<2x8192xf32, #tpu.memory_space<vmem>>, vector<16xf32>,
      } {sc.loop_unroll_factor = 8 : i64, sc.parallel_access}
      %add3A_118 = arith.constant 0 : i32
      %add3A_119 = arith.addi %add3A, %add3A_118 : i32
      %mul3A_120 = arith.constant 8192 : i32
      %mul3A_121 = arith.muli %add3A_119, %mul3A_120 : i32
      %dma_start3A_122 = arith.constant 0 : i32
      %dma_start3A_123 = tpu.memref_slice %arg5[%dma_start3A_122, %mul3A_121] : memref<2x1000000xf32, #tpu.memory_space<hbm>> -> memref<2x8192xf32, #tpu.memory_space<hbm>>
      %dma_start3A_124 = arith.constant 0 : i32
      %dma_start3A_125 = tpu.memref_slice %arg5[%dma_start3A_124, %mul3A_121] : memref<2x1000000xf32, #tpu.memory_space<hbm>> -> memref<2x8192xf32, #tpu.memory_space<hbm>>
      tpu.enqueue_dma source(%arg11 : memref<2x8192xf32, #tpu.memory_space<vmem>>) target(%dma_start3A_125 : memref<2x8192xf32, #tpu.memory_space<hbm>>) target_semaphore(%arg15 : memref<!tpu.dma_semaphore, #tpu.memory_space<semaphore_mem>>)
    } else {
    }
    %gt3A_39 = arith.constant 2 : i32
    %gt3A_40 = arith.cmpi sgt, %select_n3A, %gt3A_39 : i32
    %convert_element_type3A_41 = arith.extui %gt3A_40 : i1 to i32
    %cond3A_42 = arith.constant 0 : i32
    %cond3A_43 = arith.cmpi ne, %convert_element_type3A_41, %cond3A_42 : i32
    scf.if %cond3A_43 {
      %add3A_107 = arith.constant 64 : i32
      %add3A_108 = arith.addi %add3A, %add3A_107 : i32
      %mul3A_109 = arith.constant 8192 : i32
      %mul3A_110 = arith.muli %add3A_108, %mul3A_109 : i32
      %dma_start3A_111 = tpu.memref_slice %arg3[%mul3A_110] : memref<1000000xi32, #tpu.memory_space<hbm>> -> memref<8192xi32, #tpu.memory_space<hbm>>
      %dma_start3A_112 = tpu.memref_slice %arg3[%mul3A_110] : memref<1000000xi32, #tpu.memory_space<hbm>> -> memref<8192xi32, #tpu.memory_space<hbm>>
      tpu.enqueue_dma source(%dma_start3A_112 : memref<8192xi32, #tpu.memory_space<hbm>>) target(%arg7 : memref<8192xi32, #tpu.memory_space<vmem>>) target_semaphore(%arg13 : memref<!tpu.dma_semaphore, #tpu.memory_space<semaphore_mem>>)
      %dma_start3A_113 = arith.constant 0 : i32
      %dma_start3A_114 = tpu.memref_slice %arg2[%dma_start3A_113, %mul3A_110] : memref<2x1000000xf32, #tpu.memory_space<hbm>> -> memref<2x8192xf32, #tpu.memory_space<hbm>>
      %dma_start3A_115 = arith.constant 0 : i32
      %dma_start3A_116 = tpu.memref_slice %arg2[%dma_start3A_115, %mul3A_110] : memref<2x1000000xf32, #tpu.memory_space<hbm>> -> memref<2x8192xf32, #tpu.memory_space<hbm>>
      tpu.enqueue_dma source(%dma_start3A_116 : memref<2x8192xf32, #tpu.memory_space<hbm>>) target(%arg9 : memref<2x8192xf32, #tpu.memory_space<vmem>>) target_semaphore(%arg13 : memref<!tpu.dma_semaphore, #tpu.memory_space<semaphore_mem>>)
    } else {
    }
    %gt3A_44 = arith.constant 1 : i32
    %gt3A_45 = arith.cmpi sgt, %select_n3A, %gt3A_44 : i32
    %convert_element_type3A_46 = arith.extui %gt3A_45 : i1 to i32
    %cond3A_47 = arith.constant 0 : i32
    %cond3A_48 = arith.cmpi ne, %convert_element_type3A_46, %cond3A_47 : i32
    scf.if %cond3A_48 {
      %add3A_107 = arith.constant 32 : i32
      %add3A_108 = arith.addi %add3A, %add3A_107 : i32
      %mul3A_109 = arith.constant 8192 : i32
      %mul3A_110 = arith.muli %add3A_108, %mul3A_109 : i32
      %dma_wait3A = tpu.memref_slice %arg3[%mul3A_110] : memref<1000000xi32, #tpu.memory_space<hbm>> -> memref<8192xi32, #tpu.memory_space<hbm>>
      %dma_wait3A_111 = tpu.memref_slice %arg3[%mul3A_110] : memref<1000000xi32, #tpu.memory_space<hbm>> -> memref<8192xi32, #tpu.memory_space<hbm>>
      tpu.wait_dma2 semaphore(%arg14 : memref<!tpu.dma_semaphore, #tpu.memory_space<semaphore_mem>>) src(%dma_wait3A_111 : memref<8192xi32, #tpu.memory_space<hbm>>) dst(%arg8 : memref<8192xi32, #tpu.memory_space<vmem>>)
      %dma_wait3A_112 = arith.constant 0 : i32
      %dma_wait3A_113 = tpu.memref_slice %arg2[%dma_wait3A_112, %mul3A_110] : memref<2x1000000xf32, #tpu.memory_space<hbm>> -> memref<2x8192xf32, #tpu.memory_space<hbm>>
      %dma_wait3A_114 = arith.constant 0 : i32
      %dma_wait3A_115 = tpu.memref_slice %arg2[%dma_wait3A_114, %mul3A_110] : memref<2x1000000xf32, #tpu.memory_space<hbm>> -> memref<2x8192xf32, #tpu.memory_space<hbm>>
      tpu.wait_dma2 semaphore(%arg14 : memref<!tpu.dma_semaphore, #tpu.memory_space<semaphore_mem>>) src(%dma_wait3A_115 : memref<2x8192xf32, #tpu.memory_space<hbm>>) dst(%arg10 : memref<2x8192xf32, #tpu.memory_space<vmem>>)
      %parallel_loop3A = arith.constant 0 : i32
      %parallel_loop3A_116 = arith.constant 8192 : i32
      %parallel_loop3A_117 = arith.constant 16 : i32
      scf.for %parallel_loop3A_126 = %parallel_loop3A to %parallel_loop3A_116 step %parallel_loop3A_117  : i32 {
        %parallel_loop3A_127 = arith.index_cast %parallel_loop3A_126 : i32 to index
        %parallel_loop3A_128 = tpu.vector_load %arg8[%parallel_loop3A_127] {strides = array<i32>} : memref<8192xi32, #tpu.memory_space<vmem>>, vector<16xi32>,
        %parallel_loop3A_129 = arith.constant 0 : i32
        %parallel_loop3A_130 = arith.constant 0 : i32
        %parallel_loop3A_131 = tpu.memref_slice %arg6[%parallel_loop3A_129, %parallel_loop3A_130] : memref<2x87xf32, #tpu.memory_space<vmem>> -> memref<1x87xf32, #tpu.memory_space<vmem>>
        %parallel_loop3A_132 = tpu.memref_squeeze %parallel_loop3A_131 : memref<1x87xf32, #tpu.memory_space<vmem>> -> memref<87xf32, #tpu.memory_space<vmem>>
        %parallel_loop3A_133 = tpu.vector_load_idx %parallel_loop3A_132[%parallel_loop3A_128] : memref<87xf32, #tpu.memory_space<vmem>>[vector<16xi32>], vector<16xf32>,
        %parallel_loop3A_134 = arith.constant 1 : i32
        %parallel_loop3A_135 = arith.constant 0 : i32
        %parallel_loop3A_136 = tpu.memref_slice %arg6[%parallel_loop3A_134, %parallel_loop3A_135] : memref<2x87xf32, #tpu.memory_space<vmem>> -> memref<1x87xf32, #tpu.memory_space<vmem>>
        %parallel_loop3A_137 = tpu.memref_squeeze %parallel_loop3A_136 : memref<1x87xf32, #tpu.memory_space<vmem>> -> memref<87xf32, #tpu.memory_space<vmem>>
        %parallel_loop3A_138 = tpu.vector_load_idx %parallel_loop3A_137[%parallel_loop3A_128] : memref<87xf32, #tpu.memory_space<vmem>>[vector<16xi32>], vector<16xf32>,
        %parallel_loop3A_139 = arith.constant 0 : i32
        %parallel_loop3A_140 = arith.index_cast %parallel_loop3A_139 : i32 to index
        %parallel_loop3A_141 = arith.index_cast %parallel_loop3A_126 : i32 to index
        %parallel_loop3A_142 = tpu.vector_load %arg10[%parallel_loop3A_140, %parallel_loop3A_141] {strides = array<i32>} : memref<2x8192xf32, #tpu.memory_space<vmem>>, vector<16xf32>,
        %parallel_loop3A_143 = arith.constant -4.000000e+00 : f32
        %parallel_loop3A_144 = vector.broadcast %parallel_loop3A_143 : f32 to vector<16xf32>
        %parallel_loop3A_145 = arith.maximumf %parallel_loop3A_142, %parallel_loop3A_144 : vector<16xf32>
        %parallel_loop3A_146 = arith.constant 4.000000e+00 : f32
        %parallel_loop3A_147 = vector.broadcast %parallel_loop3A_146 : f32 to vector<16xf32>
        %parallel_loop3A_148 = arith.minimumf %parallel_loop3A_145, %parallel_loop3A_147 : vector<16xf32>
        %parallel_loop3A_149 = math.exp %parallel_loop3A_148 : vector<16xf32>
        %parallel_loop3A_150 = arith.constant 1 : i32
        %parallel_loop3A_151 = arith.index_cast %parallel_loop3A_150 : i32 to index
        %parallel_loop3A_152 = arith.index_cast %parallel_loop3A_126 : i32 to index
        %parallel_loop3A_153 = tpu.vector_load %arg10[%parallel_loop3A_151, %parallel_loop3A_152] {strides = array<i32>} : memref<2x8192xf32, #tpu.memory_space<vmem>>, vector<16xf32>,
        %parallel_loop3A_154 = arith.constant -4.000000e+00 : f32
        %parallel_loop3A_155 = vector.broadcast %parallel_loop3A_154 : f32 to vector<16xf32>
        %parallel_loop3A_156 = arith.maximumf %parallel_loop3A_153, %parallel_loop3A_155 : vector<16xf32>
        %parallel_loop3A_157 = arith.constant 4.000000e+00 : f32
        %parallel_loop3A_158 = vector.broadcast %parallel_loop3A_157 : f32 to vector<16xf32>
        %parallel_loop3A_159 = arith.minimumf %parallel_loop3A_156, %parallel_loop3A_158 : vector<16xf32>
        %parallel_loop3A_160 = math.exp %parallel_loop3A_159 : vector<16xf32>
        %parallel_loop3A_161 = arith.mulf %parallel_loop3A_133, %parallel_loop3A_149 : vector<16xf32>
        %parallel_loop3A_162 = arith.constant 0 : i32
        %parallel_loop3A_163 = arith.index_cast %parallel_loop3A_162 : i32 to index
        %parallel_loop3A_164 = arith.index_cast %parallel_loop3A_126 : i32 to index
        %parallel_loop3A_165 = tpu.vector_load %arg12[%parallel_loop3A_163, %parallel_loop3A_164] {strides = array<i32>} : memref<2x8192xf32, #tpu.memory_space<vmem>>, vector<16xf32>,
        tpu.vector_store %arg12[%parallel_loop3A_163, %parallel_loop3A_164], %parallel_loop3A_161 {strides = array<i32>} : memref<2x8192xf32, #tpu.memory_space<vmem>>, vector<16xf32>,
        %parallel_loop3A_166 = arith.mulf %parallel_loop3A_138, %parallel_loop3A_160 : vector<16xf32>
        %parallel_loop3A_167 = arith.constant 1 : i32
        %parallel_loop3A_168 = arith.index_cast %parallel_loop3A_167 : i32 to index
        %parallel_loop3A_169 = arith.index_cast %parallel_loop3A_126 : i32 to index
        %parallel_loop3A_170 = tpu.vector_load %arg12[%parallel_loop3A_168, %parallel_loop3A_169] {strides = array<i32>} : memref<2x8192xf32, #tpu.memory_space<vmem>>, vector<16xf32>,
        tpu.vector_store %arg12[%parallel_loop3A_168, %parallel_loop3A_169], %parallel_loop3A_166 {strides = array<i32>} : memref<2x8192xf32, #tpu.memory_space<vmem>>, vector<16xf32>,
      } {sc.loop_unroll_factor = 8 : i64, sc.parallel_access}
      %add3A_118 = arith.constant 32 : i32
      %add3A_119 = arith.addi %add3A, %add3A_118 : i32
      %mul3A_120 = arith.constant 8192 : i32
      %mul3A_121 = arith.muli %add3A_119, %mul3A_120 : i32
      %dma_start3A_122 = arith.constant 0 : i32
      %dma_start3A_123 = tpu.memref_slice %arg5[%dma_start3A_122, %mul3A_121] : memref<2x1000000xf32, #tpu.memory_space<hbm>> -> memref<2x8192xf32, #tpu.memory_space<hbm>>
      %dma_start3A_124 = arith.constant 0 : i32
      %dma_start3A_125 = tpu.memref_slice %arg5[%dma_start3A_124, %mul3A_121] : memref<2x1000000xf32, #tpu.memory_space<hbm>> -> memref<2x8192xf32, #tpu.memory_space<hbm>>
      tpu.enqueue_dma source(%arg12 : memref<2x8192xf32, #tpu.memory_space<vmem>>) target(%dma_start3A_125 : memref<2x8192xf32, #tpu.memory_space<hbm>>) target_semaphore(%arg16 : memref<!tpu.dma_semaphore, #tpu.memory_space<semaphore_mem>>)
    } else {
    }
    %gt3A_49 = arith.constant 3 : i32
    %gt3A_50 = arith.cmpi sgt, %select_n3A, %gt3A_49 : i32
    %convert_element_type3A_51 = arith.extui %gt3A_50 : i1 to i32
    %cond3A_52 = arith.constant 0 : i32
    %cond3A_53 = arith.cmpi ne, %convert_element_type3A_51, %cond3A_52 : i32
    scf.if %cond3A_53 {
      %add3A_107 = arith.constant 96 : i32
      %add3A_108 = arith.addi %add3A, %add3A_107 : i32
      %mul3A_109 = arith.constant 8192 : i32
      %mul3A_110 = arith.muli %add3A_108, %mul3A_109 : i32
      %dma_start3A_111 = tpu.memref_slice %arg3[%mul3A_110] : memref<1000000xi32, #tpu.memory_space<hbm>> -> memref<8192xi32, #tpu.memory_space<hbm>>
      %dma_start3A_112 = tpu.memref_slice %arg3[%mul3A_110] : memref<1000000xi32, #tpu.memory_space<hbm>> -> memref<8192xi32, #tpu.memory_space<hbm>>
      tpu.enqueue_dma source(%dma_start3A_112 : memref<8192xi32, #tpu.memory_space<hbm>>) target(%arg8 : memref<8192xi32, #tpu.memory_space<vmem>>) target_semaphore(%arg14 : memref<!tpu.dma_semaphore, #tpu.memory_space<semaphore_mem>>)
      %dma_start3A_113 = arith.constant 0 : i32
      %dma_start3A_114 = tpu.memref_slice %arg2[%dma_start3A_113, %mul3A_110] : memref<2x1000000xf32, #tpu.memory_space<hbm>> -> memref<2x8192xf32, #tpu.memory_space<hbm>>
      %dma_start3A_115 = arith.constant 0 : i32
      %dma_start3A_116 = tpu.memref_slice %arg2[%dma_start3A_115, %mul3A_110] : memref<2x1000000xf32, #tpu.memory_space<hbm>> -> memref<2x8192xf32, #tpu.memory_space<hbm>>
      tpu.enqueue_dma source(%dma_start3A_116 : memref<2x8192xf32, #tpu.memory_space<hbm>>) target(%arg10 : memref<2x8192xf32, #tpu.memory_space<vmem>>) target_semaphore(%arg14 : memref<!tpu.dma_semaphore, #tpu.memory_space<semaphore_mem>>)
    } else {
    }
    %gt3A_54 = arith.constant 2 : i32
    %gt3A_55 = arith.cmpi sgt, %select_n3A, %gt3A_54 : i32
    %convert_element_type3A_56 = arith.extui %gt3A_55 : i1 to i32
    %cond3A_57 = arith.constant 0 : i32
    %cond3A_58 = arith.cmpi ne, %convert_element_type3A_56, %cond3A_57 : i32
    scf.if %cond3A_58 {
      %add3A_107 = arith.constant 64 : i32
      %add3A_108 = arith.addi %add3A, %add3A_107 : i32
      %mul3A_109 = arith.constant 8192 : i32
      %mul3A_110 = arith.muli %add3A_108, %mul3A_109 : i32
      %dma_wait3A = tpu.memref_slice %arg3[%mul3A_110] : memref<1000000xi32, #tpu.memory_space<hbm>> -> memref<8192xi32, #tpu.memory_space<hbm>>
      %dma_wait3A_111 = tpu.memref_slice %arg3[%mul3A_110] : memref<1000000xi32, #tpu.memory_space<hbm>> -> memref<8192xi32, #tpu.memory_space<hbm>>
      tpu.wait_dma2 semaphore(%arg13 : memref<!tpu.dma_semaphore, #tpu.memory_space<semaphore_mem>>) src(%dma_wait3A_111 : memref<8192xi32, #tpu.memory_space<hbm>>) dst(%arg7 : memref<8192xi32, #tpu.memory_space<vmem>>)
      %dma_wait3A_112 = arith.constant 0 : i32
      %dma_wait3A_113 = tpu.memref_slice %arg2[%dma_wait3A_112, %mul3A_110] : memref<2x1000000xf32, #tpu.memory_space<hbm>> -> memref<2x8192xf32, #tpu.memory_space<hbm>>
      %dma_wait3A_114 = arith.constant 0 : i32
      %dma_wait3A_115 = tpu.memref_slice %arg2[%dma_wait3A_114, %mul3A_110] : memref<2x1000000xf32, #tpu.memory_space<hbm>> -> memref<2x8192xf32, #tpu.memory_space<hbm>>
      tpu.wait_dma2 semaphore(%arg13 : memref<!tpu.dma_semaphore, #tpu.memory_space<semaphore_mem>>) src(%dma_wait3A_115 : memref<2x8192xf32, #tpu.memory_space<hbm>>) dst(%arg9 : memref<2x8192xf32, #tpu.memory_space<vmem>>)
      %add3A_116 = arith.constant 0 : i32
      %add3A_117 = arith.addi %add3A, %add3A_116 : i32
      %mul3A_118 = arith.constant 8192 : i32
      %mul3A_119 = arith.muli %add3A_117, %mul3A_118 : i32
      %dma_wait3A_120 = arith.constant 0 : i32
      %dma_wait3A_121 = tpu.memref_slice %arg5[%dma_wait3A_120, %mul3A_119] : memref<2x1000000xf32, #tpu.memory_space<hbm>> -> memref<2x8192xf32, #tpu.memory_space<hbm>>
      %dma_wait3A_122 = arith.constant 0 : i32
      %dma_wait3A_123 = tpu.memref_slice %arg5[%dma_wait3A_122, %mul3A_119] : memref<2x1000000xf32, #tpu.memory_space<hbm>> -> memref<2x8192xf32, #tpu.memory_space<hbm>>
      tpu.wait_dma2 semaphore(%arg15 : memref<!tpu.dma_semaphore, #tpu.memory_space<semaphore_mem>>) src(%arg11 : memref<2x8192xf32, #tpu.memory_space<vmem>>) dst(%dma_wait3A_123 : memref<2x8192xf32, #tpu.memory_space<hbm>>)
      %parallel_loop3A = arith.constant 0 : i32
      %parallel_loop3A_124 = arith.constant 8192 : i32
      %parallel_loop3A_125 = arith.constant 16 : i32
      scf.for %parallel_loop3A_134 = %parallel_loop3A to %parallel_loop3A_124 step %parallel_loop3A_125  : i32 {
        %parallel_loop3A_135 = arith.index_cast %parallel_loop3A_134 : i32 to index
        %parallel_loop3A_136 = tpu.vector_load %arg7[%parallel_loop3A_135] {strides = array<i32>} : memref<8192xi32, #tpu.memory_space<vmem>>, vector<16xi32>,
        %parallel_loop3A_137 = arith.constant 0 : i32
        %parallel_loop3A_138 = arith.constant 0 : i32
        %parallel_loop3A_139 = tpu.memref_slice %arg6[%parallel_loop3A_137, %parallel_loop3A_138] : memref<2x87xf32, #tpu.memory_space<vmem>> -> memref<1x87xf32, #tpu.memory_space<vmem>>
        %parallel_loop3A_140 = tpu.memref_squeeze %parallel_loop3A_139 : memref<1x87xf32, #tpu.memory_space<vmem>> -> memref<87xf32, #tpu.memory_space<vmem>>
        %parallel_loop3A_141 = tpu.vector_load_idx %parallel_loop3A_140[%parallel_loop3A_136] : memref<87xf32, #tpu.memory_space<vmem>>[vector<16xi32>], vector<16xf32>,
        %parallel_loop3A_142 = arith.constant 1 : i32
        %parallel_loop3A_143 = arith.constant 0 : i32
        %parallel_loop3A_144 = tpu.memref_slice %arg6[%parallel_loop3A_142, %parallel_loop3A_143] : memref<2x87xf32, #tpu.memory_space<vmem>> -> memref<1x87xf32, #tpu.memory_space<vmem>>
        %parallel_loop3A_145 = tpu.memref_squeeze %parallel_loop3A_144 : memref<1x87xf32, #tpu.memory_space<vmem>> -> memref<87xf32, #tpu.memory_space<vmem>>
        %parallel_loop3A_146 = tpu.vector_load_idx %parallel_loop3A_145[%parallel_loop3A_136] : memref<87xf32, #tpu.memory_space<vmem>>[vector<16xi32>], vector<16xf32>,
        %parallel_loop3A_147 = arith.constant 0 : i32
        %parallel_loop3A_148 = arith.index_cast %parallel_loop3A_147 : i32 to index
        %parallel_loop3A_149 = arith.index_cast %parallel_loop3A_134 : i32 to index
        %parallel_loop3A_150 = tpu.vector_load %arg9[%parallel_loop3A_148, %parallel_loop3A_149] {strides = array<i32>} : memref<2x8192xf32, #tpu.memory_space<vmem>>, vector<16xf32>,
        %parallel_loop3A_151 = arith.constant -4.000000e+00 : f32
        %parallel_loop3A_152 = vector.broadcast %parallel_loop3A_151 : f32 to vector<16xf32>
        %parallel_loop3A_153 = arith.maximumf %parallel_loop3A_150, %parallel_loop3A_152 : vector<16xf32>
        %parallel_loop3A_154 = arith.constant 4.000000e+00 : f32
        %parallel_loop3A_155 = vector.broadcast %parallel_loop3A_154 : f32 to vector<16xf32>
        %parallel_loop3A_156 = arith.minimumf %parallel_loop3A_153, %parallel_loop3A_155 : vector<16xf32>
        %parallel_loop3A_157 = math.exp %parallel_loop3A_156 : vector<16xf32>
        %parallel_loop3A_158 = arith.constant 1 : i32
        %parallel_loop3A_159 = arith.index_cast %parallel_loop3A_158 : i32 to index
        %parallel_loop3A_160 = arith.index_cast %parallel_loop3A_134 : i32 to index
        %parallel_loop3A_161 = tpu.vector_load %arg9[%parallel_loop3A_159, %parallel_loop3A_160] {strides = array<i32>} : memref<2x8192xf32, #tpu.memory_space<vmem>>, vector<16xf32>,
        %parallel_loop3A_162 = arith.constant -4.000000e+00 : f32
        %parallel_loop3A_163 = vector.broadcast %parallel_loop3A_162 : f32 to vector<16xf32>
        %parallel_loop3A_164 = arith.maximumf %parallel_loop3A_161, %parallel_loop3A_163 : vector<16xf32>
        %parallel_loop3A_165 = arith.constant 4.000000e+00 : f32
        %parallel_loop3A_166 = vector.broadcast %parallel_loop3A_165 : f32 to vector<16xf32>
        %parallel_loop3A_167 = arith.minimumf %parallel_loop3A_164, %parallel_loop3A_166 : vector<16xf32>
        %parallel_loop3A_168 = math.exp %parallel_loop3A_167 : vector<16xf32>
        %parallel_loop3A_169 = arith.mulf %parallel_loop3A_141, %parallel_loop3A_157 : vector<16xf32>
        %parallel_loop3A_170 = arith.constant 0 : i32
        %parallel_loop3A_171 = arith.index_cast %parallel_loop3A_170 : i32 to index
        %parallel_loop3A_172 = arith.index_cast %parallel_loop3A_134 : i32 to index
        %parallel_loop3A_173 = tpu.vector_load %arg11[%parallel_loop3A_171, %parallel_loop3A_172] {strides = array<i32>} : memref<2x8192xf32, #tpu.memory_space<vmem>>, vector<16xf32>,
        tpu.vector_store %arg11[%parallel_loop3A_171, %parallel_loop3A_172], %parallel_loop3A_169 {strides = array<i32>} : memref<2x8192xf32, #tpu.memory_space<vmem>>, vector<16xf32>,
        %parallel_loop3A_174 = arith.mulf %parallel_loop3A_146, %parallel_loop3A_168 : vector<16xf32>
        %parallel_loop3A_175 = arith.constant 1 : i32
        %parallel_loop3A_176 = arith.index_cast %parallel_loop3A_175 : i32 to index
        %parallel_loop3A_177 = arith.index_cast %parallel_loop3A_134 : i32 to index
        %parallel_loop3A_178 = tpu.vector_load %arg11[%parallel_loop3A_176, %parallel_loop3A_177] {strides = array<i32>} : memref<2x8192xf32, #tpu.memory_space<vmem>>, vector<16xf32>,
        tpu.vector_store %arg11[%parallel_loop3A_176, %parallel_loop3A_177], %parallel_loop3A_174 {strides = array<i32>} : memref<2x8192xf32, #tpu.memory_space<vmem>>, vector<16xf32>,
      } {sc.loop_unroll_factor = 8 : i64, sc.parallel_access}
      %add3A_126 = arith.constant 64 : i32
      %add3A_127 = arith.addi %add3A, %add3A_126 : i32
      %mul3A_128 = arith.constant 8192 : i32
      %mul3A_129 = arith.muli %add3A_127, %mul3A_128 : i32
      %dma_start3A_130 = arith.constant 0 : i32
      %dma_start3A_131 = tpu.memref_slice %arg5[%dma_start3A_130, %mul3A_129] : memref<2x1000000xf32, #tpu.memory_space<hbm>> -> memref<2x8192xf32, #tpu.memory_space<hbm>>
      %dma_start3A_132 = arith.constant 0 : i32
      %dma_start3A_133 = tpu.memref_slice %arg5[%dma_start3A_132, %mul3A_129] : memref<2x1000000xf32, #tpu.memory_space<hbm>> -> memref<2x8192xf32, #tpu.memory_space<hbm>>
      tpu.enqueue_dma source(%arg11 : memref<2x8192xf32, #tpu.memory_space<vmem>>) target(%dma_start3A_133 : memref<2x8192xf32, #tpu.memory_space<hbm>>) target_semaphore(%arg15 : memref<!tpu.dma_semaphore, #tpu.memory_space<semaphore_mem>>)
    } else {
    }
    %gt3A_59 = arith.constant 3 : i32
    %gt3A_60 = arith.cmpi sgt, %select_n3A, %gt3A_59 : i32
    %convert_element_type3A_61 = arith.extui %gt3A_60 : i1 to i32
    %cond3A_62 = arith.constant 0 : i32
    %cond3A_63 = arith.cmpi ne, %convert_element_type3A_61, %cond3A_62 : i32
    scf.if %cond3A_63 {
      %add3A_107 = arith.constant 96 : i32
      %add3A_108 = arith.addi %add3A, %add3A_107 : i32
      %mul3A_109 = arith.constant 8192 : i32
      %mul3A_110 = arith.muli %add3A_108, %mul3A_109 : i32
      %dma_wait3A = tpu.memref_slice %arg3[%mul3A_110] : memref<1000000xi32, #tpu.memory_space<hbm>> -> memref<8192xi32, #tpu.memory_space<hbm>>
      %dma_wait3A_111 = tpu.memref_slice %arg3[%mul3A_110] : memref<1000000xi32, #tpu.memory_space<hbm>> -> memref<8192xi32, #tpu.memory_space<hbm>>
      tpu.wait_dma2 semaphore(%arg14 : memref<!tpu.dma_semaphore, #tpu.memory_space<semaphore_mem>>) src(%dma_wait3A_111 : memref<8192xi32, #tpu.memory_space<hbm>>) dst(%arg8 : memref<8192xi32, #tpu.memory_space<vmem>>)
      %dma_wait3A_112 = arith.constant 0 : i32
      %dma_wait3A_113 = tpu.memref_slice %arg2[%dma_wait3A_112, %mul3A_110] : memref<2x1000000xf32, #tpu.memory_space<hbm>> -> memref<2x8192xf32, #tpu.memory_space<hbm>>
      %dma_wait3A_114 = arith.constant 0 : i32
      %dma_wait3A_115 = tpu.memref_slice %arg2[%dma_wait3A_114, %mul3A_110] : memref<2x1000000xf32, #tpu.memory_space<hbm>> -> memref<2x8192xf32, #tpu.memory_space<hbm>>
      tpu.wait_dma2 semaphore(%arg14 : memref<!tpu.dma_semaphore, #tpu.memory_space<semaphore_mem>>) src(%dma_wait3A_115 : memref<2x8192xf32, #tpu.memory_space<hbm>>) dst(%arg10 : memref<2x8192xf32, #tpu.memory_space<vmem>>)
      %add3A_116 = arith.constant 32 : i32
      %add3A_117 = arith.addi %add3A, %add3A_116 : i32
      %mul3A_118 = arith.constant 8192 : i32
      %mul3A_119 = arith.muli %add3A_117, %mul3A_118 : i32
      %dma_wait3A_120 = arith.constant 0 : i32
      %dma_wait3A_121 = tpu.memref_slice %arg5[%dma_wait3A_120, %mul3A_119] : memref<2x1000000xf32, #tpu.memory_space<hbm>> -> memref<2x8192xf32, #tpu.memory_space<hbm>>
      %dma_wait3A_122 = arith.constant 0 : i32
      %dma_wait3A_123 = tpu.memref_slice %arg5[%dma_wait3A_122, %mul3A_119] : memref<2x1000000xf32, #tpu.memory_space<hbm>> -> memref<2x8192xf32, #tpu.memory_space<hbm>>
      tpu.wait_dma2 semaphore(%arg16 : memref<!tpu.dma_semaphore, #tpu.memory_space<semaphore_mem>>) src(%arg12 : memref<2x8192xf32, #tpu.memory_space<vmem>>) dst(%dma_wait3A_123 : memref<2x8192xf32, #tpu.memory_space<hbm>>)
      %parallel_loop3A = arith.constant 0 : i32
      %parallel_loop3A_124 = arith.constant 8192 : i32
      %parallel_loop3A_125 = arith.constant 16 : i32
      scf.for %parallel_loop3A_134 = %parallel_loop3A to %parallel_loop3A_124 step %parallel_loop3A_125  : i32 {
        %parallel_loop3A_135 = arith.index_cast %parallel_loop3A_134 : i32 to index
        %parallel_loop3A_136 = tpu.vector_load %arg8[%parallel_loop3A_135] {strides = array<i32>} : memref<8192xi32, #tpu.memory_space<vmem>>, vector<16xi32>,
        %parallel_loop3A_137 = arith.constant 0 : i32
        %parallel_loop3A_138 = arith.constant 0 : i32
        %parallel_loop3A_139 = tpu.memref_slice %arg6[%parallel_loop3A_137, %parallel_loop3A_138] : memref<2x87xf32, #tpu.memory_space<vmem>> -> memref<1x87xf32, #tpu.memory_space<vmem>>
        %parallel_loop3A_140 = tpu.memref_squeeze %parallel_loop3A_139 : memref<1x87xf32, #tpu.memory_space<vmem>> -> memref<87xf32, #tpu.memory_space<vmem>>
        %parallel_loop3A_141 = tpu.vector_load_idx %parallel_loop3A_140[%parallel_loop3A_136] : memref<87xf32, #tpu.memory_space<vmem>>[vector<16xi32>], vector<16xf32>,
        %parallel_loop3A_142 = arith.constant 1 : i32
        %parallel_loop3A_143 = arith.constant 0 : i32
        %parallel_loop3A_144 = tpu.memref_slice %arg6[%parallel_loop3A_142, %parallel_loop3A_143] : memref<2x87xf32, #tpu.memory_space<vmem>> -> memref<1x87xf32, #tpu.memory_space<vmem>>
        %parallel_loop3A_145 = tpu.memref_squeeze %parallel_loop3A_144 : memref<1x87xf32, #tpu.memory_space<vmem>> -> memref<87xf32, #tpu.memory_space<vmem>>
        %parallel_loop3A_146 = tpu.vector_load_idx %parallel_loop3A_145[%parallel_loop3A_136] : memref<87xf32, #tpu.memory_space<vmem>>[vector<16xi32>], vector<16xf32>,
        %parallel_loop3A_147 = arith.constant 0 : i32
        %parallel_loop3A_148 = arith.index_cast %parallel_loop3A_147 : i32 to index
        %parallel_loop3A_149 = arith.index_cast %parallel_loop3A_134 : i32 to index
        %parallel_loop3A_150 = tpu.vector_load %arg10[%parallel_loop3A_148, %parallel_loop3A_149] {strides = array<i32>} : memref<2x8192xf32, #tpu.memory_space<vmem>>, vector<16xf32>,
        %parallel_loop3A_151 = arith.constant -4.000000e+00 : f32
        %parallel_loop3A_152 = vector.broadcast %parallel_loop3A_151 : f32 to vector<16xf32>
        %parallel_loop3A_153 = arith.maximumf %parallel_loop3A_150, %parallel_loop3A_152 : vector<16xf32>
        %parallel_loop3A_154 = arith.constant 4.000000e+00 : f32
        %parallel_loop3A_155 = vector.broadcast %parallel_loop3A_154 : f32 to vector<16xf32>
        %parallel_loop3A_156 = arith.minimumf %parallel_loop3A_153, %parallel_loop3A_155 : vector<16xf32>
        %parallel_loop3A_157 = math.exp %parallel_loop3A_156 : vector<16xf32>
        %parallel_loop3A_158 = arith.constant 1 : i32
        %parallel_loop3A_159 = arith.index_cast %parallel_loop3A_158 : i32 to index
        %parallel_loop3A_160 = arith.index_cast %parallel_loop3A_134 : i32 to index
        %parallel_loop3A_161 = tpu.vector_load %arg10[%parallel_loop3A_159, %parallel_loop3A_160] {strides = array<i32>} : memref<2x8192xf32, #tpu.memory_space<vmem>>, vector<16xf32>,
        %parallel_loop3A_162 = arith.constant -4.000000e+00 : f32
        %parallel_loop3A_163 = vector.broadcast %parallel_loop3A_162 : f32 to vector<16xf32>
        %parallel_loop3A_164 = arith.maximumf %parallel_loop3A_161, %parallel_loop3A_163 : vector<16xf32>
        %parallel_loop3A_165 = arith.constant 4.000000e+00 : f32
        %parallel_loop3A_166 = vector.broadcast %parallel_loop3A_165 : f32 to vector<16xf32>
        %parallel_loop3A_167 = arith.minimumf %parallel_loop3A_164, %parallel_loop3A_166 : vector<16xf32>
        %parallel_loop3A_168 = math.exp %parallel_loop3A_167 : vector<16xf32>
        %parallel_loop3A_169 = arith.mulf %parallel_loop3A_141, %parallel_loop3A_157 : vector<16xf32>
        %parallel_loop3A_170 = arith.constant 0 : i32
        %parallel_loop3A_171 = arith.index_cast %parallel_loop3A_170 : i32 to index
        %parallel_loop3A_172 = arith.index_cast %parallel_loop3A_134 : i32 to index
        %parallel_loop3A_173 = tpu.vector_load %arg12[%parallel_loop3A_171, %parallel_loop3A_172] {strides = array<i32>} : memref<2x8192xf32, #tpu.memory_space<vmem>>, vector<16xf32>,
        tpu.vector_store %arg12[%parallel_loop3A_171, %parallel_loop3A_172], %parallel_loop3A_169 {strides = array<i32>} : memref<2x8192xf32, #tpu.memory_space<vmem>>, vector<16xf32>,
        %parallel_loop3A_174 = arith.mulf %parallel_loop3A_146, %parallel_loop3A_168 : vector<16xf32>
        %parallel_loop3A_175 = arith.constant 1 : i32
        %parallel_loop3A_176 = arith.index_cast %parallel_loop3A_175 : i32 to index
        %parallel_loop3A_177 = arith.index_cast %parallel_loop3A_134 : i32 to index
        %parallel_loop3A_178 = tpu.vector_load %arg12[%parallel_loop3A_176, %parallel_loop3A_177] {strides = array<i32>} : memref<2x8192xf32, #tpu.memory_space<vmem>>, vector<16xf32>,
        tpu.vector_store %arg12[%parallel_loop3A_176, %parallel_loop3A_177], %parallel_loop3A_174 {strides = array<i32>} : memref<2x8192xf32, #tpu.memory_space<vmem>>, vector<16xf32>,
      } {sc.loop_unroll_factor = 8 : i64, sc.parallel_access}
      %add3A_126 = arith.constant 96 : i32
      %add3A_127 = arith.addi %add3A, %add3A_126 : i32
      %mul3A_128 = arith.constant 8192 : i32
      %mul3A_129 = arith.muli %add3A_127, %mul3A_128 : i32
      %dma_start3A_130 = arith.constant 0 : i32
      %dma_start3A_131 = tpu.memref_slice %arg5[%dma_start3A_130, %mul3A_129] : memref<2x1000000xf32, #tpu.memory_space<hbm>> -> memref<2x8192xf32, #tpu.memory_space<hbm>>
      %dma_start3A_132 = arith.constant 0 : i32
      %dma_start3A_133 = tpu.memref_slice %arg5[%dma_start3A_132, %mul3A_129] : memref<2x1000000xf32, #tpu.memory_space<hbm>> -> memref<2x8192xf32, #tpu.memory_space<hbm>>
      tpu.enqueue_dma source(%arg12 : memref<2x8192xf32, #tpu.memory_space<vmem>>) target(%dma_start3A_133 : memref<2x8192xf32, #tpu.memory_space<hbm>>) target_semaphore(%arg16 : memref<!tpu.dma_semaphore, #tpu.memory_space<semaphore_mem>>)
    } else {
    }
    %sub3A_64 = arith.constant 2 : i32
    %sub3A_65 = arith.subi %select_n3A, %sub3A_64 : i32
    %le3A = arith.constant 0 : i32
    %le3A_66 = arith.cmpi sle, %sub3A_65, %le3A : i32
    %gt3A_67 = arith.constant 0 : i32
    %gt3A_68 = arith.cmpi sgt, %select_n3A, %gt3A_67 : i32
    %and3A_69 = arith.andi %le3A_66, %gt3A_68 : i1
    %convert_element_type3A_70 = arith.extui %and3A_69 : i1 to i32
    %cond3A_71 = arith.constant 0 : i32
    %cond3A_72 = arith.cmpi ne, %convert_element_type3A_70, %cond3A_71 : i32
    scf.if %cond3A_72 {
      %add3A_107 = arith.constant 0 : i32
      %add3A_108 = arith.addi %add3A, %add3A_107 : i32
      %mul3A_109 = arith.constant 8192 : i32
      %mul3A_110 = arith.muli %add3A_108, %mul3A_109 : i32
      %dma_wait3A = arith.constant 0 : i32
      %dma_wait3A_111 = tpu.memref_slice %arg5[%dma_wait3A, %mul3A_110] : memref<2x1000000xf32, #tpu.memory_space<hbm>> -> memref<2x8192xf32, #tpu.memory_space<hbm>>
      %dma_wait3A_112 = arith.constant 0 : i32
      %dma_wait3A_113 = tpu.memref_slice %arg5[%dma_wait3A_112, %mul3A_110] : memref<2x1000000xf32, #tpu.memory_space<hbm>> -> memref<2x8192xf32, #tpu.memory_space<hbm>>
      tpu.wait_dma2 semaphore(%arg15 : memref<!tpu.dma_semaphore, #tpu.memory_space<semaphore_mem>>) src(%arg11 : memref<2x8192xf32, #tpu.memory_space<vmem>>) dst(%dma_wait3A_113 : memref<2x8192xf32, #tpu.memory_space<hbm>>)
    } else {
    }
    %sub3A_73 = arith.constant 2 : i32
    %sub3A_74 = arith.subi %select_n3A, %sub3A_73 : i32
    %le3A_75 = arith.constant 1 : i32
    %le3A_76 = arith.cmpi sle, %sub3A_74, %le3A_75 : i32
    %gt3A_77 = arith.constant 1 : i32
    %gt3A_78 = arith.cmpi sgt, %select_n3A, %gt3A_77 : i32
    %and3A_79 = arith.andi %le3A_76, %gt3A_78 : i1
    %convert_element_type3A_80 = arith.extui %and3A_79 : i1 to i32
    %cond3A_81 = arith.constant 0 : i32
    %cond3A_82 = arith.cmpi ne, %convert_element_type3A_80, %cond3A_81 : i32
    scf.if %cond3A_82 {
      %add3A_107 = arith.constant 32 : i32
      %add3A_108 = arith.addi %add3A, %add3A_107 : i32
      %mul3A_109 = arith.constant 8192 : i32
      %mul3A_110 = arith.muli %add3A_108, %mul3A_109 : i32
      %dma_wait3A = arith.constant 0 : i32
      %dma_wait3A_111 = tpu.memref_slice %arg5[%dma_wait3A, %mul3A_110] : memref<2x1000000xf32, #tpu.memory_space<hbm>> -> memref<2x8192xf32, #tpu.memory_space<hbm>>
      %dma_wait3A_112 = arith.constant 0 : i32
      %dma_wait3A_113 = tpu.memref_slice %arg5[%dma_wait3A_112, %mul3A_110] : memref<2x1000000xf32, #tpu.memory_space<hbm>> -> memref<2x8192xf32, #tpu.memory_space<hbm>>
      tpu.wait_dma2 semaphore(%arg16 : memref<!tpu.dma_semaphore, #tpu.memory_space<semaphore_mem>>) src(%arg12 : memref<2x8192xf32, #tpu.memory_space<vmem>>) dst(%dma_wait3A_113 : memref<2x8192xf32, #tpu.memory_space<hbm>>)
    } else {
    }
    %sub3A_83 = arith.constant 2 : i32
    %sub3A_84 = arith.subi %select_n3A, %sub3A_83 : i32
    %le3A_85 = arith.constant 2 : i32
    %le3A_86 = arith.cmpi sle, %sub3A_84, %le3A_85 : i32
    %gt3A_87 = arith.constant 2 : i32
    %gt3A_88 = arith.cmpi sgt, %select_n3A, %gt3A_87 : i32
    %and3A_89 = arith.andi %le3A_86, %gt3A_88 : i1
    %convert_element_type3A_90 = arith.extui %and3A_89 : i1 to i32
    %cond3A_91 = arith.constant 0 : i32
    %cond3A_92 = arith.cmpi ne, %convert_element_type3A_90, %cond3A_91 : i32
    scf.if %cond3A_92 {
      %add3A_107 = arith.constant 64 : i32
      %add3A_108 = arith.addi %add3A, %add3A_107 : i32
      %mul3A_109 = arith.constant 8192 : i32
      %mul3A_110 = arith.muli %add3A_108, %mul3A_109 : i32
      %dma_wait3A = arith.constant 0 : i32
      %dma_wait3A_111 = tpu.memref_slice %arg5[%dma_wait3A, %mul3A_110] : memref<2x1000000xf32, #tpu.memory_space<hbm>> -> memref<2x8192xf32, #tpu.memory_space<hbm>>
      %dma_wait3A_112 = arith.constant 0 : i32
      %dma_wait3A_113 = tpu.memref_slice %arg5[%dma_wait3A_112, %mul3A_110] : memref<2x1000000xf32, #tpu.memory_space<hbm>> -> memref<2x8192xf32, #tpu.memory_space<hbm>>
      tpu.wait_dma2 semaphore(%arg15 : memref<!tpu.dma_semaphore, #tpu.memory_space<semaphore_mem>>) src(%arg11 : memref<2x8192xf32, #tpu.memory_space<vmem>>) dst(%dma_wait3A_113 : memref<2x8192xf32, #tpu.memory_space<hbm>>)
    } else {
    }
    %sub3A_93 = arith.constant 2 : i32
    %sub3A_94 = arith.subi %select_n3A, %sub3A_93 : i32
    %le3A_95 = arith.constant 3 : i32
    %le3A_96 = arith.cmpi sle, %sub3A_94, %le3A_95 : i32
    %gt3A_97 = arith.constant 3 : i32
    %gt3A_98 = arith.cmpi sgt, %select_n3A, %gt3A_97 : i32
    %and3A_99 = arith.andi %le3A_96, %gt3A_98 : i1
    %convert_element_type3A_100 = arith.extui %and3A_99 : i1 to i32
    %cond3A_101 = arith.constant 0 : i32
    %cond3A_102 = arith.cmpi ne, %convert_element_type3A_100, %cond3A_101 : i32
    scf.if %cond3A_102 {
      %add3A_107 = arith.constant 96 : i32
      %add3A_108 = arith.addi %add3A, %add3A_107 : i32
      %mul3A_109 = arith.constant 8192 : i32
      %mul3A_110 = arith.muli %add3A_108, %mul3A_109 : i32
      %dma_wait3A = arith.constant 0 : i32
      %dma_wait3A_111 = tpu.memref_slice %arg5[%dma_wait3A, %mul3A_110] : memref<2x1000000xf32, #tpu.memory_space<hbm>> -> memref<2x8192xf32, #tpu.memory_space<hbm>>
      %dma_wait3A_112 = arith.constant 0 : i32
      %dma_wait3A_113 = tpu.memref_slice %arg5[%dma_wait3A_112, %mul3A_110] : memref<2x1000000xf32, #tpu.memory_space<hbm>> -> memref<2x8192xf32, #tpu.memory_space<hbm>>
      tpu.wait_dma2 semaphore(%arg16 : memref<!tpu.dma_semaphore, #tpu.memory_space<semaphore_mem>>) src(%arg12 : memref<2x8192xf32, #tpu.memory_space<vmem>>) dst(%dma_wait3A_113 : memref<2x8192xf32, #tpu.memory_space<hbm>>)
    } else {
    }
    %eq3A = arith.constant 31 : i32
    %eq3A_103 = arith.cmpi eq, %add3A, %eq3A : i32
    %convert_element_type3A_104 = arith.extui %eq3A_103 : i1 to i32
    %cond3A_105 = arith.constant 0 : i32
    %cond3A_106 = arith.cmpi ne, %convert_element_type3A_104, %cond3A_105 : i32
    scf.if %cond3A_106 {
      %sub3A_107 = arith.subi %add3A, %add3A : i32
      %add3A_108 = arith.constant 999424 : i32
      %add3A_109 = arith.addi %sub3A_107, %add3A_108 : i32
      "tpu.region"() ({
        %run_scoped3A = tpu.sem_alloc : memref<!tpu.dma_semaphore, #tpu.memory_space<semaphore_mem>>
        %dma_start3A_112 = arith.constant 0 : i32
        %dma_start3A_113 = tpu.memref_slice %arg7[%dma_start3A_112] : memref<8192xi32, #tpu.memory_space<vmem>> -> memref<576xi32, #tpu.memory_space<vmem>>
        %dma_start3A_114 = arith.constant 999424 : i32
        %dma_start3A_115 = tpu.memref_slice %arg3[%dma_start3A_114] : memref<1000000xi32, #tpu.memory_space<hbm>> -> memref<576xi32, #tpu.memory_space<hbm>>
        %dma_start3A_116 = arith.constant 0 : i32
        %dma_start3A_117 = tpu.memref_slice %arg7[%dma_start3A_116] : memref<8192xi32, #tpu.memory_space<vmem>> -> memref<576xi32, #tpu.memory_space<vmem>>
        %dma_start3A_118 = arith.constant 999424 : i32
        %dma_start3A_119 = tpu.memref_slice %arg3[%dma_start3A_118] : memref<1000000xi32, #tpu.memory_space<hbm>> -> memref<576xi32, #tpu.memory_space<hbm>>
        tpu.enqueue_dma source(%dma_start3A_119 : memref<576xi32, #tpu.memory_space<hbm>>) target(%dma_start3A_117 : memref<576xi32, #tpu.memory_space<vmem>>) target_semaphore(%run_scoped3A : memref<!tpu.dma_semaphore, #tpu.memory_space<semaphore_mem>>)
        %dma_wait3A = arith.constant 0 : i32
        %dma_wait3A_120 = tpu.memref_slice %arg7[%dma_wait3A] : memref<8192xi32, #tpu.memory_space<vmem>> -> memref<576xi32, #tpu.memory_space<vmem>>
        %dma_wait3A_121 = arith.constant 999424 : i32
        %dma_wait3A_122 = tpu.memref_slice %arg3[%dma_wait3A_121] : memref<1000000xi32, #tpu.memory_space<hbm>> -> memref<576xi32, #tpu.memory_space<hbm>>
        %dma_wait3A_123 = arith.constant 0 : i32
        %dma_wait3A_124 = tpu.memref_slice %arg7[%dma_wait3A_123] : memref<8192xi32, #tpu.memory_space<vmem>> -> memref<576xi32, #tpu.memory_space<vmem>>
        %dma_wait3A_125 = arith.constant 999424 : i32
        %dma_wait3A_126 = tpu.memref_slice %arg3[%dma_wait3A_125] : memref<1000000xi32, #tpu.memory_space<hbm>> -> memref<576xi32, #tpu.memory_space<hbm>>
        tpu.wait_dma2 semaphore(%run_scoped3A : memref<!tpu.dma_semaphore, #tpu.memory_space<semaphore_mem>>) src(%dma_wait3A_126 : memref<576xi32, #tpu.memory_space<hbm>>) dst(%dma_wait3A_124 : memref<576xi32, #tpu.memory_space<vmem>>)
        tpu.yield
      }) : () -> ()
      "tpu.region"() ({
        %run_scoped3A = tpu.sem_alloc : memref<!tpu.dma_semaphore, #tpu.memory_space<semaphore_mem>>
        %dma_start3A_112 = arith.constant 0 : i32
        %dma_start3A_113 = arith.constant 0 : i32
        %dma_start3A_114 = tpu.memref_slice %arg9[%dma_start3A_112, %dma_start3A_113] : memref<2x8192xf32, #tpu.memory_space<vmem>> -> memref<2x640xf32, #tpu.memory_space<vmem>>
        %dma_start3A_115 = arith.constant 0 : i32
        %dma_start3A_116 = tpu.memref_slice %arg2[%dma_start3A_115, %add3A_109] : memref<2x1000000xf32, #tpu.memory_space<hbm>> -> memref<2x640xf32, #tpu.memory_space<hbm>>
        %dma_start3A_117 = arith.constant 0 : i32
        %dma_start3A_118 = arith.constant 0 : i32
        %dma_start3A_119 = tpu.memref_slice %arg9[%dma_start3A_117, %dma_start3A_118] : memref<2x8192xf32, #tpu.memory_space<vmem>> -> memref<2x640xf32, #tpu.memory_space<vmem>>
        %dma_start3A_120 = arith.constant 0 : i32
        %dma_start3A_121 = tpu.memref_slice %arg2[%dma_start3A_120, %add3A_109] : memref<2x1000000xf32, #tpu.memory_space<hbm>> -> memref<2x640xf32, #tpu.memory_space<hbm>>
        tpu.enqueue_dma source(%dma_start3A_121 : memref<2x640xf32, #tpu.memory_space<hbm>>) target(%dma_start3A_119 : memref<2x640xf32, #tpu.memory_space<vmem>>) target_semaphore(%run_scoped3A : memref<!tpu.dma_semaphore, #tpu.memory_space<semaphore_mem>>)
        %dma_wait3A = arith.constant 0 : i32
        %dma_wait3A_122 = arith.constant 0 : i32
        %dma_wait3A_123 = tpu.memref_slice %arg9[%dma_wait3A, %dma_wait3A_122] : memref<2x8192xf32, #tpu.memory_space<vmem>> -> memref<2x640xf32, #tpu.memory_space<vmem>>
        %dma_wait3A_124 = arith.constant 0 : i32
        %dma_wait3A_125 = tpu.memref_slice %arg2[%dma_wait3A_124, %add3A_109] : memref<2x1000000xf32, #tpu.memory_space<hbm>> -> memref<2x640xf32, #tpu.memory_space<hbm>>
        %dma_wait3A_126 = arith.constant 0 : i32
        %dma_wait3A_127 = arith.constant 0 : i32
        %dma_wait3A_128 = tpu.memref_slice %arg9[%dma_wait3A_126, %dma_wait3A_127] : memref<2x8192xf32, #tpu.memory_space<vmem>> -> memref<2x640xf32, #tpu.memory_space<vmem>>
        %dma_wait3A_129 = arith.constant 0 : i32
        %dma_wait3A_130 = tpu.memref_slice %arg2[%dma_wait3A_129, %add3A_109] : memref<2x1000000xf32, #tpu.memory_space<hbm>> -> memref<2x640xf32, #tpu.memory_space<hbm>>
        tpu.wait_dma2 semaphore(%run_scoped3A : memref<!tpu.dma_semaphore, #tpu.memory_space<semaphore_mem>>) src(%dma_wait3A_130 : memref<2x640xf32, #tpu.memory_space<hbm>>) dst(%dma_wait3A_128 : memref<2x640xf32, #tpu.memory_space<vmem>>)
        tpu.yield
      }) : () -> ()
      %parallel_loop3A = arith.constant 0 : i32
      %parallel_loop3A_110 = arith.constant 640 : i32
      %parallel_loop3A_111 = arith.constant 16 : i32
      scf.for %parallel_loop3A_112 = %parallel_loop3A to %parallel_loop3A_110 step %parallel_loop3A_111  : i32 {
        %parallel_loop3A_113 = arith.index_cast %parallel_loop3A_112 : i32 to index
        %parallel_loop3A_114 = tpu.vector_load %arg7[%parallel_loop3A_113] {strides = array<i32>} : memref<8192xi32, #tpu.memory_space<vmem>>, vector<16xi32>,
        %parallel_loop3A_115 = arith.constant 0 : i32
        %parallel_loop3A_116 = vector.broadcast %parallel_loop3A_115 : i32 to vector<16xi32>
        %parallel_loop3A_117 = arith.maxsi %parallel_loop3A_114, %parallel_loop3A_116 : vector<16xi32>
        %parallel_loop3A_118 = arith.constant 86 : i32
        %parallel_loop3A_119 = vector.broadcast %parallel_loop3A_118 : i32 to vector<16xi32>
        %parallel_loop3A_120 = arith.minsi %parallel_loop3A_117, %parallel_loop3A_119 : vector<16xi32>
        %parallel_loop3A_121 = arith.constant 0 : i32
        %parallel_loop3A_122 = arith.constant 0 : i32
        %parallel_loop3A_123 = tpu.memref_slice %arg6[%parallel_loop3A_121, %parallel_loop3A_122] : memref<2x87xf32, #tpu.memory_space<vmem>> -> memref<1x87xf32, #tpu.memory_space<vmem>>
        %parallel_loop3A_124 = tpu.memref_squeeze %parallel_loop3A_123 : memref<1x87xf32, #tpu.memory_space<vmem>> -> memref<87xf32, #tpu.memory_space<vmem>>
        %parallel_loop3A_125 = tpu.vector_load_idx %parallel_loop3A_124[%parallel_loop3A_120] : memref<87xf32, #tpu.memory_space<vmem>>[vector<16xi32>], vector<16xf32>,
        %parallel_loop3A_126 = arith.constant 1 : i32
        %parallel_loop3A_127 = arith.constant 0 : i32
        %parallel_loop3A_128 = tpu.memref_slice %arg6[%parallel_loop3A_126, %parallel_loop3A_127] : memref<2x87xf32, #tpu.memory_space<vmem>> -> memref<1x87xf32, #tpu.memory_space<vmem>>
        %parallel_loop3A_129 = tpu.memref_squeeze %parallel_loop3A_128 : memref<1x87xf32, #tpu.memory_space<vmem>> -> memref<87xf32, #tpu.memory_space<vmem>>
        %parallel_loop3A_130 = tpu.vector_load_idx %parallel_loop3A_129[%parallel_loop3A_120] : memref<87xf32, #tpu.memory_space<vmem>>[vector<16xi32>], vector<16xf32>,
        %parallel_loop3A_131 = arith.constant 0 : i32
        %parallel_loop3A_132 = arith.index_cast %parallel_loop3A_131 : i32 to index
        %parallel_loop3A_133 = arith.index_cast %parallel_loop3A_112 : i32 to index
        %parallel_loop3A_134 = tpu.vector_load %arg9[%parallel_loop3A_132, %parallel_loop3A_133] {strides = array<i32>} : memref<2x8192xf32, #tpu.memory_space<vmem>>, vector<16xf32>,
        %parallel_loop3A_135 = arith.constant -4.000000e+00 : f32
        %parallel_loop3A_136 = vector.broadcast %parallel_loop3A_135 : f32 to vector<16xf32>
        %parallel_loop3A_137 = arith.maximumf %parallel_loop3A_134, %parallel_loop3A_136 : vector<16xf32>
        %parallel_loop3A_138 = arith.constant 4.000000e+00 : f32
        %parallel_loop3A_139 = vector.broadcast %parallel_loop3A_138 : f32 to vector<16xf32>
        %parallel_loop3A_140 = arith.minimumf %parallel_loop3A_137, %parallel_loop3A_139 : vector<16xf32>
        %parallel_loop3A_141 = math.exp %parallel_loop3A_140 : vector<16xf32>
        %parallel_loop3A_142 = arith.constant 1 : i32
        %parallel_loop3A_143 = arith.index_cast %parallel_loop3A_142 : i32 to index
        %parallel_loop3A_144 = arith.index_cast %parallel_loop3A_112 : i32 to index
        %parallel_loop3A_145 = tpu.vector_load %arg9[%parallel_loop3A_143, %parallel_loop3A_144] {strides = array<i32>} : memref<2x8192xf32, #tpu.memory_space<vmem>>, vector<16xf32>,
        %parallel_loop3A_146 = arith.constant -4.000000e+00 : f32
        %parallel_loop3A_147 = vector.broadcast %parallel_loop3A_146 : f32 to vector<16xf32>
        %parallel_loop3A_148 = arith.maximumf %parallel_loop3A_145, %parallel_loop3A_147 : vector<16xf32>
        %parallel_loop3A_149 = arith.constant 4.000000e+00 : f32
        %parallel_loop3A_150 = vector.broadcast %parallel_loop3A_149 : f32 to vector<16xf32>
        %parallel_loop3A_151 = arith.minimumf %parallel_loop3A_148, %parallel_loop3A_150 : vector<16xf32>
        %parallel_loop3A_152 = math.exp %parallel_loop3A_151 : vector<16xf32>
        %parallel_loop3A_153 = arith.mulf %parallel_loop3A_125, %parallel_loop3A_141 : vector<16xf32>
        %parallel_loop3A_154 = arith.constant 0 : i32
        %parallel_loop3A_155 = arith.index_cast %parallel_loop3A_154 : i32 to index
        %parallel_loop3A_156 = arith.index_cast %parallel_loop3A_112 : i32 to index
        %parallel_loop3A_157 = tpu.vector_load %arg11[%parallel_loop3A_155, %parallel_loop3A_156] {strides = array<i32>} : memref<2x8192xf32, #tpu.memory_space<vmem>>, vector<16xf32>,
        tpu.vector_store %arg11[%parallel_loop3A_155, %parallel_loop3A_156], %parallel_loop3A_153 {strides = array<i32>} : memref<2x8192xf32, #tpu.memory_space<vmem>>, vector<16xf32>,
        %parallel_loop3A_158 = arith.mulf %parallel_loop3A_130, %parallel_loop3A_152 : vector<16xf32>
        %parallel_loop3A_159 = arith.constant 1 : i32
        %parallel_loop3A_160 = arith.index_cast %parallel_loop3A_159 : i32 to index
        %parallel_loop3A_161 = arith.index_cast %parallel_loop3A_112 : i32 to index
        %parallel_loop3A_162 = tpu.vector_load %arg11[%parallel_loop3A_160, %parallel_loop3A_161] {strides = array<i32>} : memref<2x8192xf32, #tpu.memory_space<vmem>>, vector<16xf32>,
        tpu.vector_store %arg11[%parallel_loop3A_160, %parallel_loop3A_161], %parallel_loop3A_158 {strides = array<i32>} : memref<2x8192xf32, #tpu.memory_space<vmem>>, vector<16xf32>,
      } {sc.loop_unroll_factor = 8 : i64, sc.parallel_access}
      "tpu.region"() ({
        %run_scoped3A = tpu.sem_alloc : memref<!tpu.dma_semaphore, #tpu.memory_space<semaphore_mem>>
        %dma_start3A_112 = arith.constant 0 : i32
        %dma_start3A_113 = arith.constant 0 : i32
        %dma_start3A_114 = tpu.memref_slice %arg11[%dma_start3A_112, %dma_start3A_113] : memref<2x8192xf32, #tpu.memory_space<vmem>> -> memref<2x640xf32, #tpu.memory_space<vmem>>
        %dma_start3A_115 = arith.constant 0 : i32
        %dma_start3A_116 = tpu.memref_slice %arg5[%dma_start3A_115, %add3A_109] : memref<2x1000000xf32, #tpu.memory_space<hbm>> -> memref<2x640xf32, #tpu.memory_space<hbm>>
        %dma_start3A_117 = arith.constant 0 : i32
        %dma_start3A_118 = tpu.memref_slice %arg5[%dma_start3A_117, %add3A_109] : memref<2x1000000xf32, #tpu.memory_space<hbm>> -> memref<2x640xf32, #tpu.memory_space<hbm>>
        %dma_start3A_119 = arith.constant 0 : i32
        %dma_start3A_120 = arith.constant 0 : i32
        %dma_start3A_121 = tpu.memref_slice %arg11[%dma_start3A_119, %dma_start3A_120] : memref<2x8192xf32, #tpu.memory_space<vmem>> -> memref<2x640xf32, #tpu.memory_space<vmem>>
        tpu.enqueue_dma source(%dma_start3A_121 : memref<2x640xf32, #tpu.memory_space<vmem>>) target(%dma_start3A_118 : memref<2x640xf32, #tpu.memory_space<hbm>>) target_semaphore(%run_scoped3A : memref<!tpu.dma_semaphore, #tpu.memory_space<semaphore_mem>>)
        %dma_wait3A = arith.constant 0 : i32
        %dma_wait3A_122 = arith.constant 0 : i32
        %dma_wait3A_123 = tpu.memref_slice %arg11[%dma_wait3A, %dma_wait3A_122] : memref<2x8192xf32, #tpu.memory_space<vmem>> -> memref<2x640xf32, #tpu.memory_space<vmem>>
        %dma_wait3A_124 = arith.constant 0 : i32
        %dma_wait3A_125 = tpu.memref_slice %arg5[%dma_wait3A_124, %add3A_109] : memref<2x1000000xf32, #tpu.memory_space<hbm>> -> memref<2x640xf32, #tpu.memory_space<hbm>>
        %dma_wait3A_126 = arith.constant 0 : i32
        %dma_wait3A_127 = tpu.memref_slice %arg5[%dma_wait3A_126, %add3A_109] : memref<2x1000000xf32, #tpu.memory_space<hbm>> -> memref<2x640xf32, #tpu.memory_space<hbm>>
        %dma_wait3A_128 = arith.constant 0 : i32
        %dma_wait3A_129 = arith.constant 0 : i32
        %dma_wait3A_130 = tpu.memref_slice %arg11[%dma_wait3A_128, %dma_wait3A_129] : memref<2x8192xf32, #tpu.memory_space<vmem>> -> memref<2x640xf32, #tpu.memory_space<vmem>>
        tpu.wait_dma2 semaphore(%run_scoped3A : memref<!tpu.dma_semaphore, #tpu.memory_space<semaphore_mem>>) src(%dma_wait3A_130 : memref<2x640xf32, #tpu.memory_space<vmem>>) dst(%dma_wait3A_127 : memref<2x640xf32, #tpu.memory_space<hbm>>)
        tpu.yield
      }) : () -> ()
    } else {
    }
    return
  }
}

</mosaic_0001>

<sc_bundles>
// kernel: kernel.3.cloned.1.call-start
scs
__scs_entry_jumppad:
0x0: {  	(pc) =	sbr.rel $0x88, $3  }
0x1: {  	(tag) =	ssettag $0x0;
	lr =	simm.s32 $0x1  }
0x2: {  	[smem:$0x3F9E] =	sst lr;
	_ =	strace $0xD0000000  }
0x3: {  	_ = 	snop  }
0x4: {  	_ = 	snop  }
0x5: {  	_ = 	snop  }
0x6: {  	_ = 	snop  }
0x7: {  	_ = 	snop  }
__scs_overlays_trampoline_lowered:
0x8: {  	[smem:$0x3FAD] =	sst s0  }
0x9: {  	[smem:$0x3FAE] =	sst s1  }
0xa: {  	[smem:$0x3FAF] =	sst s2  }
0xb: {  	[smem:$0x3FB0] =	sst s3  }
0xc: {  	[smem:$0x3FB1] =	sst s4  }
0xd: {  	[smem:$0x3FB2] =	sst s5  }
0xe: {  	[smem:$0x3FB3] =	sst s6  }
0xf: {  	[smem:$0x3FB4] =	sst s7  }
0x10: {  	[smem:$0x3FB5] =	sst s8  }
0x11: {  	[smem:$0x3FB6] =	sst s9;
	s0 =	simm.s32 @!p0 $0x0  }
0x12: {  	s1 =	sld [smem:$0x3F9C];
	s0 =	simm.s32 @p0 $0x1  }
0x13: {  	[smem:$0x3FB7] =	sst s0;
	s0 =	simm.s32 @!p1 $0x0  }
0x14: {  	s2 =	sld [smem:$0x3F9B];
	s0 =	simm.s32 @p1 $0x1  }
0x15: {  	[smem:$0x3FB8] =	sst s0;
	s0 =	simm.s32 @!p2 $0x0  }
0x16: {  	s3 =	sld [smem:$0x3FDB];
	s0 =	simm.s32 @p2 $0x1  }
0x17: {  	s4 =	simm.s32 $0x1BF5;
	[smem:$0x3FBA] =	sst s0  }
0x18: {  	s0 =	sld [smem:$0x3F9D];
	_ =	swait.ge [sflag:s4], $0x0  }
0x19: {  	s7 =	sld [smem:$0x3F9E]  }
0x1a: {  	s8 =	sadd.s32 $0xFFFFE003, lr  }
0x1b: {  	s9 =	sadd.s32 $0xFFFFFEF7, lr;
	s5 =	simm.s32 $0xFFFFFFFF;
	p2 =	slt.u32 s8, $0xFFFFF086  }
0x1c: {  	p1 =	slt.u32 s9, $0xF7A;
	s5 =	simm.s32 @!p2 $0x0  }
0x1d: {  	s5 =	simm.s32 @p1 $0x1;
	p0 =	seq.s32 s7, s2  }
0x1e: {  	s7 =	smul.u32 @!p0 $0xF7A, s2;
	p2 =	seq.s32 @!p0 s5, $0x0  }
0x1f: {  	s9 =	smul.u32 $0xF7A, s1;
	s8 =	simm.s32 @!p0 $0x1BF5;
	p2 =	por !p2, p0  }
0x20: {  	[sflag:s8] =	ssyncset.s32 @!p0 $0xFFFFF086;
	s6 =	sadd.s32 @!p0 s3, s7;
	s7 =	simm.s32 @!p0 $0x108  }
0x21: {  	s3 =	sadd.s32 s3, s9;
	s6 =	sadd.s32 @!p0 $0x88, s6;
	s7 =	simm.s32 @p2 $0x1082  }
0x22: {  	[simem:s7], [sflag:s8] =	dma.local @!p0 [hbm:s6], $0xF7A  }
0x23: {  	s9 =	sor.u32 $0xD0000000, s2;
	s6 =	simm.s32 $0x108;
	_ =	swait.ge @!p0 [sflag:s8], $0x0  }
0x24: {  	s3 =	sadd.s32 $0x88, s3;
	s6 =	simm.s32 @!p1 $0x1082;
	[sflag:s4] =	ssyncset.s32 $0xFFFFF086  }
0x25: {  	[simem:s6], [sflag:s4] =	dma.local [hbm:s3], $0xF7A  }
0x26: {  	[smem:$0x3F9E] =	sst s1;
	(tag) =	ssettag s2;
	_ =	strace s9  }
0x27: {  	s1 =	sld [smem:$0x3FAE]  }
0x28: {  	s2 =	sld [smem:$0x3FAF]  }
0x29: {  	s4 =	sld [smem:$0x3FB1]  }
0x2a: {  	p0 =	seq.s32 s5, $0x0;
	s5 =	sld [smem:$0x3FB2]  }
0x2b: {  	s6 =	sld [smem:$0x3FB3]  }
0x2c: {  	s7 =	sld [smem:$0x3FB4]  }
0x2d: {  	s3 =	simm.s32 $0x108;
	s8 =	sld [smem:$0x3FB5]  }
0x2e: {  	s3 =	simm.s32 @!p0 $0x1082;
	s9 =	sld [smem:$0x3FB6]  }
0x2f: {  	lr =	sadd.s32 s0, s3;
	s0 =	sld [smem:$0x3FAD]  }
0x30: {  	s3 =	sld [smem:$0x3FB0]  }
0x31: {  	[smem:$0x3FB9] =	sst s10  }
0x32: {  	s10 =	sld [smem:$0x3FB7];
	_ =	sdelay $0x3  }
0x33: {  	p0 =	seq.s32 s10, $0x1;
	s10 =	sld [smem:$0x3FB9];
	_ =	sdelay $0x3  }
0x34: {  	[smem:$0x3FB9] =	sst s10  }
0x35: {  	s10 =	sld [smem:$0x3FB8];
	_ =	sdelay $0x3  }
0x36: {  	p1 =	seq.s32 s10, $0x1;
	s10 =	sld [smem:$0x3FB9];
	_ =	sdelay $0x3  }
0x37: {  	[smem:$0x3FB9] =	sst s10  }
0x38: {  	s10 =	sld [smem:$0x3FBA]  }
0x39: {  	_ = 	snop;
	(pc) =	sbr.ind lr, $3  }
0x3a: {  	_ = 	snop  }
0x3b: {  	_ = 	snop  }
0x3c: {  	p2 =	seq.s32 s10, $0x1;
	s10 =	sld [smem:$0x3FB9]  }
0x3d: {  	_ =	shalt  }
0x3e: {  	_ =	shalt  }
0x3f: {  	_ =	shalt  }
0x40: {  	_ =	shalt  }
0x41: {  	_ =	shalt  }
0x42: {  	_ =	shalt  }
0x43: {  	_ =	shalt  }
0x44: {  	_ =	shalt  }
0x45: {  	_ =	shalt  }
0x46: {  	_ =	shalt  }
0x47: {  	_ =	shalt  }
0x48: {  	_ =	shalt  }
0x49: {  	_ =	shalt  }
0x4a: {  	_ =	shalt  }
0x4b: {  	_ =	shalt  }
0x4c: {  	_ =	shalt  }
0x4d: {  	_ =	shalt  }
0x4e: {  	_ =	shalt  }
0x4f: {  	_ =	shalt  }
0x50: {  	_ =	shalt  }
0x51: {  	_ =	shalt  }
0x52: {  	_ =	shalt  }
0x53: {  	_ =	shalt  }
0x54: {  	_ =	shalt  }
0x55: {  	_ =	shalt  }
0x56: {  	_ =	shalt  }
0x57: {  	_ =	shalt  }
0x58: {  	_ =	shalt  }
0x59: {  	_ =	shalt  }
0x5a: {  	_ =	shalt  }
0x5b: {  	_ =	shalt  }
0x5c: {  	_ =	shalt  }
0x5d: {  	_ =	shalt  }
0x5e: {  	_ =	shalt  }
0x5f: {  	_ =	shalt  }
0x60: {  	_ =	shalt  }
0x61: {  	_ =	shalt  }
0x62: {  	_ =	shalt  }
0x63: {  	_ =	shalt  }
0x64: {  	_ =	shalt  }
0x65: {  	_ =	shalt  }
0x66: {  	_ =	shalt  }
0x67: {  	_ =	shalt  }
0x68: {  	_ =	shalt  }
0x69: {  	_ =	shalt  }
0x6a: {  	_ =	shalt  }
0x6b: {  	_ =	shalt  }
0x6c: {  	_ =	shalt  }
0x6d: {  	_ =	shalt  }
0x6e: {  	_ =	shalt  }
0x6f: {  	_ =	shalt  }
0x70: {  	_ =	shalt  }
0x71: {  	_ =	shalt  }
0x72: {  	_ =	shalt  }
0x73: {  	_ =	shalt  }
0x74: {  	_ =	shalt  }
0x75: {  	_ =	shalt  }
0x76: {  	_ =	shalt  }
0x77: {  	_ =	shalt  }
0x78: {  	_ =	shalt  }
0x79: {  	_ =	shalt  }
0x7a: {  	_ =	shalt  }
0x7b: {  	_ =	shalt  }
0x7c: {  	_ =	shalt  }
0x7d: {  	_ =	shalt  }
0x7e: {  	_ =	shalt  }
0x7f: {  	_ =	shalt  }
0x80: {  	_ =	shalt  }
0x81: {  	_ =	shalt  }
0x82: {  	_ =	shalt  }
0x83: {  	_ =	shalt  }
0x84: {  	_ =	shalt  }
0x85: {  	_ =	shalt  }
0x86: {  	_ =	shalt  }
0x87: {  	_ =	shalt  }
.Lfunc_end0:
.L_simem_size_0:
called_computation_lowered:
.L_overlay_start_0:
0x88: {  	s2 =	sld [smem:$0x3FD9]  }
0x89: {  	s3 =	sld [smem:$0x3FFE];
	_ =	sdelay $0x1  }
0x8a: {  	s1 =	srdreg.scid  }
0x8b: {  	s0 =	sand.u32 $0x1, s1  }
0x8c: {  	s18 =	sshll.u32 s0, $0xA;
	s2 =	sadd.s32 s3, s2  }
0x8d: {  	s2 =	sadd.s32 s2, s18  }
0x8e: {  	[smem:$0x3FC5] =	sst s2  }
0x8f: {  	_ = 	snop  }
0x90: {  	s2 =	sld [smem:$0x3FC9]  }
0x91: {  	s19 =	sld [smem:$0x3FC8]  }
0x92: {  	s4 =	sld [smem:$0x3FC7]  }
0x93: {  	s5 =	sld [smem:$0x3FD0];
	(tm) =	ssettm $0x1  }
0x94: {  	s6 =	sld [smem:$0x3FFB];
	_ =	sdelay $0x3  }
0x95: {  	_ =	strace s6  }
0x96: {  	s6 =	sld [smem:$0x3FFC];
	_ =	sdelay $0x3  }
0x97: {  	_ =	strace s6  }
0x98: {  	s6 =	sld [smem:$0x3FFD];
	_ =	sdelay $0x3  }
0x99: {  	_ =	strace s6  }
0x9a: {  	_ =	strace $0x8FFFFFFF  }
0x9b: {  	s20 =	sld [smem:$0x3FDB];
	_ =	sdelay $0x1  }
0x9c: {  	s7 =	simm.s32 $_scs_section_size  }
0x9d: {  	s8 =	simm.s32 $_size__tile_overlayer_lowered;
	s9 =	simm.s32 $_tile_overlayer_lowered  }
0x9e: {  	s23 =	simm.s32 $0x1BFF;
	s22 =	sshll.u32 s9, $0x1;
	s6 =	sadd.s32 s7, s20  }
0x9f: {  	s10 =	simm.s32 $0x0;
	s21 =	sshll.u32 s8, $0x1;
	s8 =	sadd.s32 s22, s6  }
0xa0: {  	[timem:s10], [sflag:s23] =	dma.local [hbm:s8], s21  }
0xa1: {  	_ =	swait.ge [sflag:s23], s21  }
0xa2: {  	s7 =	ssub.s32 $0x0, s21;
	[sflag:s23] =	ssyncset.done $0x0  }
0xa3: {  	[sflag:s23] =	ssyncadd.s32 s7;
	_ =	sdelay $0x1  }
0xa4: {  	s24 =	simm.s32 $0x1B8B  }
0xa5: {  	_ =	swait.ge [sflag:s24], $0x1  }
0xa6: {  	[sflag:s24] =	ssyncset.done $0x0  }
0xa7: {  	s25 =	simm.s32 $0x1B8E;
	[sflag:s24] =	ssyncadd.s32 $0xFFFFFFFF  }
0xa8: {  	s26 =	simm.s32 $execute0_lowered;
	[smem:$0x3FD2] =	sst s25  }
0xa9: {  	s7 =	sshll.u32 s26, $0x1;
	_ =	strace $0x80000046;
	[dreg:$0x1] =	wrdreg $0xFFFFFFFF  }
0xaa: {  	s28 =	simm.s32 $_size_execute0_lowered;
	s6 =	sadd.s32 s6, s7;
	[dreg:$0x0] =	wrdreg $0x0  }
0xab: {  	s7 =	sshll.u32 s28, $0x1;
	[dreg:$0x2] =	wrdreg s6  }
0xac: {  	[dreg:$0x3] =	wrdreg s7  }
0xad: {  	[dreg:$0x4] =	wrdreg $0xC0  }
0xae: {  	_ =	task [dreg:s10], $0x5FFFF  }
0xaf: {  	[dreg:$0x1] =	wrdreg $0xFFFFFFFF  }
0xb0: {  	[dreg:$0x0] =	wrdreg $0x60  }
0xb1: {  	[dreg:$0x2] =	wrdreg s2  }
0xb2: {  	[dreg:$0x3] =	wrdreg s19  }
0xb3: {  	[dreg:$0x4] =	wrdreg s4  }
0xb4: {  	[dreg:$0x5] =	wrdreg s5  }
0xb5: {  	[dreg:$0x6] =	wrdreg $0x9  }
0xb6: {  	_ =	task.clear_ibuf [dreg:s10], $0x7FFFF;
	_ =	strace $0x90000046  }
0xb7: {  	s29 =	simm.s32 $0x9;
	_ =	strace $0x80000048  }
0xb8: {  	_ =	swait.ge [sflag:s29], $0x1  }
0xb9: {  	[sflag:s29] =	ssyncadd.s32 $0xFFFFFFFF  }
0xba: {  	_ =	strace $0x90000048  }
0xbb: {  	_ =	sfence  }
0xbc: {  	s30 =	sld [smem:$0x0];
	_ =	sdelay $0x2  }
0xbd: {  	s31 =	sshll.u32 s1, $0xD;
	s1 =	sshrl.u32 s1, $0x2  }
0xbe: {  	s3 =	sand.u32 $0x4000, s31;
	s1 =	sadd.s32 s1, s30  }
0xbf: {  	s0 =	sor.u32 s3, s0;
	s1 =	sshll.u32 s1, $0x11  }
0xc0: {  	s0 =	sor.u32 s1, s0  }
0xc1: {  	s0 =	sadd.s32 $0x8F2B, s0  }
0xc2: {  	[sflag:s0] =	ssyncadd.remote.s32 $0x1  }
0xc3: {  	_ =	sfence.sel $0xFFFF  }
0xc4: {  	[dreg:$0x0] =	wrdreg $0xFFFFFFFF;
	(pc) =	sbr.abs _section_cstart, $3  }
0xc5: {  	[dreg:$0x1] =	wrdreg $0xFFFFFFFF  }
0xc6: {  	_ =	task.clear_ibuf [dreg:s10], $0x2FFFF;
	_ =	strace $0x9FFFFFFF  }
0xc7: {  	(tm) =	ssettm $0x7FFFFFFF  }
tec
execute0_lowered:
.L_overlay_start_1:
0x0: {  	(tag) =	ssettag $0x1  }
0x1: {  	s0 =	rddreg [dreg:$0x0]  }
0x2: {  	s1 =	rddreg [dreg:$0x1]  }
0x3: {  	s24 =	rddreg [dreg:$0x2]  }
0x4: {  	s2 =	rddreg [dreg:$0x3]  }
0x5: {  	s4 =	srdreg.scid;
	s3 =	simm.s32 $0x0;
	s17 =	stileid.u32  }
0x6: {  	s20 =	simm.s32 $0x100;
	s21 =	simm.s32 $0x4100;
	s28 =	simm.s32 $0xC100  }
0x7: {  	s29 =	simm.s32 $0x2;
	s30 =	simm.s32 $0x10100;
	s31 =	simm.s32 $0x4  }
0x8: {  	s4 =	sand.u32 $0x1, s4;
	[smem:$0x7FF] =	sst s3;
	s6 =	sshll.u32 s17, $0x1  }
0x9: {  	p3 =	sgt.u32 s17, $0xC;
	s5 =	ssub.s32 $0x2, s4;
	s15 =	sor.u32 s4, s6  }
0xa: {  	_ =	strace $0x80000047;
	s7 =	sshrl.u32 s5, $0x1;
	s4 =	ssub.s32 $0x99, s15  }
0xb: {  	s9 =	sshll.u32 s15, $0xD;
	s22 =	sshll.u32 s15, $0xA;
	s8 =	sshll.u32 s15, $0xB  }
0xc: {  	p0 =	sne.s32 s15, $0x1F;
	s16 =	ssub.s32 s5, s7;
	s23 =	sshrl.u32 s4, $0x5  }
0xd: {  	s25 =	sor.u32 $0x40000, s9;
	s4 =	sadd.s32 s1, s22;
	s5 =	sadd.s32 s0, s8  }
0xe: {  	s8 =	sadd.s32 s2, s8;
	s10 =	sor.u32 $0x80000, s9;
	s13 =	sor.u32 $0xC0000, s9  }
0xf: {  	s22 =	simm.s32 $0x3;
	s26 =	sshrl.u32 s25, $0x3;
	s7 =	sshrl.u32 s25, $0x2  }
0x10: {  	s11 =	sshrl.u32 s10, $0x3;
	s10 =	sshrl.u32 s10, $0x2;
	s12 =	sshrl.u32 s13, $0x3  }
0x11: {  	s13 =	sshrl.u32 s13, $0x2;
	s14 =	sadd.s32 $0x20000, s8;
	s18 =	sadd.s32 $0x30000, s8  }
0x12: {  	s19 =	smax.u32 s16, $0x1;
	p1 =	sne.s32 s23, $0x3;
	p2 =	sne.s32 s23, $0x4  }
0x13: {  	s25 =	simm.s32 $0x1;
	s6 =	sadd.s32 s1, s26;
	s7 =	sadd.s32 s0, s7  }
.Ltmp0:
0x14: {  	s9 =	sadd.s32 s1, s11;
	s10 =	sadd.s32 s0, s10;
	(pc) =	sbr.rel .LBB2_1-.Ltmp0, $4  }
0x15: {  	s11 =	sadd.s32 $0x10000, s8;
	s12 =	sadd.s32 s1, s12;
	s13 =	sadd.s32 s0, s13  }
0x16: {  	[dreg:$0x5] =	wrdreg s18;
	s1 =	sadd.s32 $0x1E800, s1;
	s0 =	sadd.s32 $0x3D000, s0  }
0x17: {  	s18 =	sadd.s32 $0x3D000, s2;
	s26 =	simm.s32 $0x80;
	[dreg:$0x6] =	wrdreg s1  }
0x18: {  	s2 =	simm.s32 $0x0;
	[dreg:$0x7] =	wrdreg s0;
	s0 =	simm.s32 $0x5  }
.LBB2_18:
0x19: {  	[tilespmem:s24+$0xFFFFFFB0] =	vst v30  }
0x1a: {  	[tilespmem:s24+$0x30] =	vst v28  }
0x1b: {  	[tilespmem:s24+$0xFFFFFFC0] =	vst v31  }
0x1c: {  	v21 =	vmul.f32 v21, v26;
	[tilespmem:s24+$0x40] =	vst v29  }
0x1d: {  	v17 =	vpop (erf);
	v22 =	vmul.f32 v22, v27;
	[tilespmem:s24+$0xFFFFFFD0] =	vst v19  }
0x1e: {  	v0 =	vmul.f32 v0, v23;
	v16 =	vld.idx.msk [tilespmem:v16+s26+$0x0], $0xffff;
	v45 =	vpop (erf);
	[tilespmem:s23+$0xFFFFFF80] =	vst v21  }
0x1f: {  	v1 =	vmul.f32 v1, v24;
	v48 =	vld.idx.msk [tilespmem:v15+s3+$0x0], $0xffff;
	v46 =	vpop (erf);
	[tilespmem:s23+$0x0] =	vst v22  }
0x20: {  	v2 =	vmul.f32 v2, v25;
	v50 =	vld.idx.msk [tilespmem:v15+s26+$0x0], $0xffff;
	[tilespmem:s24+$0x50] =	vst v0;
	v47 =	vpop (erf)  }
0x21: {  	v51 =	vld.idx.msk [tilespmem:v12+s3+$0x0], $0xffff;
	v52 =	vmul.f32 v20, v18;
	[tilespmem:s24+$0xFFFFFFE0] =	vst v1;
	v49 =	vpop (erf)  }
0x22: {  	v53 =	vld.idx.msk [tilespmem:v12+s26+$0x0], $0xffff;
	[tilespmem:s24+$0x60] =	vst v2;
	v14 =	vmul.f32 v49, v14  }
0x23: {  	v54 =	vld.idx.msk [tilespmem:v8+s3+$0x0], $0xffff;
	[tilespmem:s23+$0xFFFFFF90] =	vst v52;
	v3 =	vmul.f32 v3, v16  }
0x24: {  	v55 =	vld.idx.msk [tilespmem:v8+s26+$0x0], $0xffff;
	v4 =	vmul.f32 v4, v48;
	[tilespmem:s23+$0xFFFFFFF0] =	vst v14  }
0x25: {  	v56 =	vld.idx.msk [tilespmem:v7+s3+$0x0], $0xffff;
	v0 =	vmul.f32 v11, v50;
	[tilespmem:s23+$0x10] =	vst v3  }
0x26: {  	v58 =	vld.idx.msk [tilespmem:v13+s3+$0x0], $0xffff;
	v1 =	vmul.f32 v10, v51;
	[tilespmem:s23+$0xFFFFFFA0] =	vst v4  }
0x27: {  	v57 =	vld.idx.msk [tilespmem:v7+s26+$0x0], $0xffff;
	v2 =	vmul.f32 v5, v53;
	[tilespmem:s23+$0x20] =	vst v0  }
0x28: {  	v59 =	vld.idx.msk [tilespmem:v13+s26+$0x0], $0xffff;
	v60 =	vmul.f32 v6, v54;
	[tilespmem:s23+$0xFFFFFFB0] =	vst v1  }
0x29: {  	v61 =	vmul.f32 v9, v55;
	[tilespmem:s23+$0x30] =	vst v2  }
0x2a: {  	v62 =	vmul.f32 v17, v56;
	[tilespmem:s23+$0xFFFFFFC0] =	vst v60  }
0x2b: {  	v63 =	vmul.f32 v46, v58;
	[tilespmem:s23+$0x40] =	vst v61  }
0x2c: {  	v3 =	vmul.f32 v45, v57;
	[tilespmem:s23+$0xFFFFFFD0] =	vst v62  }
0x2d: {  	v0 =	vmul.f32 v47, v59;
	[tilespmem:s23+$0xFFFFFFE0] =	vst v63  }
0x2e: {  	[tilespmem:s23+$0x50] =	vst v3  }
0x2f: {  	[tilespmem:s23+$0x60] =	vst v0  }
0x30: {  	[hbm4b:s18+s3] =	stream.linear.scatter [tilespmem:s28], [sflag:$0x5], $0x500, $0x38;
	[tilespmem:$0x14100] =	vst v63  }
0x31: {  	_ =	swait.ge [sflag:s0], $0x500  }
0x32: {  	[sflag:s0] =	ssyncset.done $0x0  }
0x33: {  	s24 =	smov.u32 s17;
	[sflag:s0] =	ssyncadd.s32 $0xFFFFFB00  }
.LBB2_19:
0x34: {  	s2 =	sadd.s32 $0x1, s2  }
0x35: {  	p4 =	sne.s32 s2, s19  }
.Ltmp1:
0x36: {  	_ = 	snop;
	(pc) =	sbr.rel @!p4 .LBB2_20-.Ltmp1, $1  }
0x37: {  	_ =	sdelay $0x3  }
.LBB2_1:
0x38: {  	[tilespmem:s3], [sflag:$0x3] =	stream.linear.gather [hbm4b:s24+s3], $0x100, $0x38;
	[tilespmem:$0x14100] =	vst v63  }
0x39: {  	_ = 	snop  }
0x3a: {  	[tilespmem:s20], [sflag:$0x1] =	stream.linear.gather [hbm4b:s4+s3], $0x2000, $0x38;
	[tilespmem:$0x14100] =	vst v63  }
0x3b: {  	_ = 	snop  }
0x3c: {  	[tilespmem:s21], [sflag:$0x1] =	stream.linear.gather [hbm4b:s5+s3], $0x4000, $0x38;
	[tilespmem:$0x14100] =	vst v63  }
0x3d: {  	_ =	swait.ge [sflag:s22], $0x100  }
0x3e: {  	[sflag:s22] =	ssyncset.done $0x0  }
0x3f: {  	s1 =	simm.s32 $0x2100;
	[sflag:s22] =	ssyncadd.s32 $0xFFFFFF00  }
0x40: {  	[tilespmem:s1], [sflag:$0x2] =	stream.linear.gather [hbm4b:s6+s3], $0x2000, $0x38;
	[tilespmem:$0x14100] =	vst v63  }
0x41: {  	s23 =	simm.s32 $0x8100  }
0x42: {  	[tilespmem:s23], [sflag:$0x2] =	stream.linear.gather [hbm4b:s7+s3], $0x4000, $0x38;
	[tilespmem:$0x14100] =	vst v63  }
0x43: {  	_ =	swait.ge [sflag:s25], $0x2000  }
0x44: {  	[sflag:s25] =	ssyncset.done $0x0  }
0x45: {  	[sflag:s25] =	ssyncadd.s32 $0xFFFFE000  }
0x46: {  	_ =	swait.ge [sflag:s25], $0x4000  }
0x47: {  	[sflag:s25] =	ssyncset.done $0x0  }
0x48: {  	s15 =	simm.s32 $0x4180;
	[sflag:s25] =	ssyncadd.s32 $0xFFFFC000  }
0x49: {  	v0 =	vld [tilespmem:s15+$0x70]  }
0x4a: {  	v1 =	vld [tilespmem:s15+$0xFFFFFF80]  }
0x4b: {  	v2 =	vld [tilespmem:s15+$0x0]  }
0x4c: {  	v3 =	vld [tilespmem:s15+$0xFFFFFF90]  }
0x4d: {  	v4 =	vld [tilespmem:s15+$0x10]  }
0x4e: {  	v6 =	vld [tilespmem:s15+$0xFFFFFFA0]  }
0x4f: {  	v7 =	vld [tilespmem:s15+$0x20];
	_ =	sdelay $0x1  }
0x50: {  	s1 =	simm.s32 $0x140  }
0x51: {  	v5 =	vld [tilespmem:s1+$0x30];
	v0 =	vmax.f32 v0, $-4.000000000e+00;
	v1 =	vmax.f32 v1, $-4.000000000e+00  }
0x52: {  	v8 =	vld [tilespmem:s15+$0xFFFFFFB0];
	v2 =	vmax.f32 v2, $-4.000000000e+00;
	v3 =	vmax.f32 v3, $-4.000000000e+00;
	v4 =	vmax.f32 v4, $-4.000000000e+00  }
0x53: {  	v9 =	vld [tilespmem:s15+$0x30];
	v6 =	vmax.f32 v6, $-4.000000000e+00;
	v7 =	vmax.f32 v7, $-4.000000000e+00;
	v0 =	vmin.f32 v0, $4.000000000e+00  }
0x54: {  	v10 =	vld [tilespmem:s15+$0xFFFFFFC0];
	v1 =	vmin.f32 v1, $4.000000000e+00;
	v3 =	vmin.f32 v3, $4.000000000e+00;
	v0 =	vmul.f32 $1.442695020e+00, v0  }
0x55: {  	v11 =	vld [tilespmem:s15+$0x40];
	v2 =	vmin.f32 v2, $4.000000000e+00;
	v1 =	vmul.f32 $1.442695020e+00, v1;
	v3 =	vmul.f32 $1.442695020e+00, v3  }
0x56: {  	v12 =	vld [tilespmem:s15+$0xFFFFFFD0];
	v4 =	vmin.f32 v4, $4.000000000e+00;
	(erf) = vpow2.f32 v0;
	v0 =	vmul.f32 $1.442695020e+00, v2  }
0x57: {  	v14 =	vld [tilespmem:s15+$0xFFFFFFE0];
	v7 =	vmin.f32 v7, $4.000000000e+00;
	v4 =	vmul.f32 $1.442695020e+00, v4;
	(erf) = vpow2.f32 v1  }
0x58: {  	v2 =	vld [tilespmem:s15+$0x50];
	v1 =	vmin.f32 v6, $4.000000000e+00;
	(erf) = vpow2.f32 v0;
	v0 =	vmax.f32 v8, $-4.000000000e+00  }
0x59: {  	v7 =	vmul.f32 $1.442695020e+00, v7;
	v8 =	vld [tilespmem:s1+$0xFFFFFFD0];
	v1 =	vmul.f32 $1.442695020e+00, v1;
	v0 =	vmin.f32 v0, $4.000000000e+00  }
0x5a: {  	v15 =	vld [tilespmem:s1+$0xFFFFFFE0];
	v9 =	vmax.f32 v9, $-4.000000000e+00;
	(erf) = vpow2.f32 v3;
	v16 =	vmul.f32 $1.442695020e+00, v0  }
0x5b: {  	v17 =	vld [tilespmem:s1+$0xFFFFFFF0];
	v0 =	vmin.f32 v9, $4.000000000e+00;
	v9 =	vmax.f32 v10, $-4.000000000e+00;
	(erf) = vpow2.f32 v4  }
0x5c: {  	v13 =	vld.idx.msk [tilespmem:v5+s26+$0x0], $0xffff;
	v4 =	vmax.f32 v11, $-4.000000000e+00;
	v10 =	vmul.f32 $1.442695020e+00, v0;
	v9 =	vmin.f32 v9, $4.000000000e+00  }
0x5d: {  	v6 =	vld [tilespmem:s15+$0x60];
	(erf) = vpow2.f32 v1;
	v1 =	vmin.f32 v4, $4.000000000e+00;
	v4 =	vmax.f32 v12, $-4.000000000e+00  }
0x5e: {  	v0 =	vld.idx.msk [tilespmem:v5+s3+$0x0], $0xffff;
	v2 =	vmax.f32 v2, $-4.000000000e+00;
	v5 =	vmul.f32 $1.442695020e+00, v9;
	(erf) = vpow2.f32 v7  }
0x5f: {  	v3 =	vld [tilespmem:s15+$0xFFFFFFF0];
	v1 =	vmul.f32 $1.442695020e+00, v1;
	v4 =	vmin.f32 v4, $4.000000000e+00;
	(erf) = vpow2.f32 v16  }
0x60: {  	v12 =	vld [tilespmem:s1+$0xFFFFFFC0];
	v2 =	vmin.f32 v2, $4.000000000e+00;
	v4 =	vmul.f32 $1.442695020e+00, v4;
	(erf) = vpow2.f32 v10  }
0x61: {  	v14 =	vmax.f32 v14, $-4.000000000e+00;
	v2 =	vmul.f32 $1.442695020e+00, v2;
	v10 =	vpop (erf);
	(erf) = vpow2.f32 v5;
	v60 =	vld.idx.msk [tilespmem:v8+s3+$0x0], $0xffff  }
0x62: {  	v5 =	vmin.f32 v14, $4.000000000e+00;
	v18 =	vpop (erf);
	v8 =	vld.idx.msk [tilespmem:v8+s26+$0x0], $0xffff;
	(erf) = vpow2.f32 v1  }
0x63: {  	v9 =	vld [tilespmem:s1+$0x0];
	v5 =	vmul.f32 $1.442695020e+00, v5;
	v1 =	vpop (erf);
	(erf) = vpow2.f32 v4  }
0x64: {  	v14 =	vld.idx.msk [tilespmem:v15+s3+$0x0], $0xffff;
	v4 =	vpop (erf);
	(erf) = vpow2.f32 v2  }
0x65: {  	v15 =	vld.idx.msk [tilespmem:v15+s26+$0x0], $0xffff;
	v2 =	vpop (erf);
	(erf) = vpow2.f32 v5;
	v5 =	vmul.f32 v10, v13  }
0x66: {  	s23 =	simm.s32 $0xC180;
	v19 =	vld.idx.msk [tilespmem:v17+s3+$0x0], $0xffff;
	v4 =	vmul.f32 v4, v60  }
0x67: {  	v11 =	vld [tilespmem:s1+$0x10];
	v6 =	vmax.f32 v6, $-4.000000000e+00;
	v13 =	vpop (erf);
	[tilespmem:s23+$0x70] =	vst v5;
	v5 =	vmul.f32 v2, v8  }
0x68: {  	v7 =	vld [tilespmem:s1+$0x20];
	v3 =	vmax.f32 v3, $-4.000000000e+00;
	v62 =	vpop (erf);
	[tilespmem:s23+$0xFFFFFF90] =	vst v4;
	v4 =	vmin.f32 v6, $4.000000000e+00  }
0x69: {  	v20 =	vld.idx.msk [tilespmem:v12+s3+$0x0], $0xffff;
	v8 =	vpop (erf);
	v6 =	vmul.f32 v13, v14;
	[tilespmem:s23+$0x10] =	vst v5;
	v5 =	vmul.f32 $1.442695020e+00, v4;
	v4 =	vmin.f32 v3, $4.000000000e+00  }
0x6a: {  	v2 =	vld.idx.msk [tilespmem:v12+s26+$0x0], $0xffff;
	v12 =	vpop (erf);
	v13 =	vmul.f32 v62, v15;
	v15 =	vmul.f32 $1.442695020e+00, v4  }
0x6b: {  	v14 =	vpop (erf);
	(erf) = vpow2.f32 v5  }
0x6c: {  	v10 =	vld.idx.msk [tilespmem:v17+s26+$0x0], $0xffff;
	[tilespmem:s23+$0xFFFFFFA0] =	vst v6;
	v6 =	vmul.f32 v8, v19;
	v8 =	vpop (erf);
	(erf) = vpow2.f32 v15  }
0x6d: {  	v61 =	vld.idx.msk [tilespmem:v9+s3+$0x0], $0xffff;
	_ =	sdelay $0x1  }
0x6e: {  	v3 =	vld.idx.msk [tilespmem:v9+s26+$0x0], $0xffff  }
0x6f: {  	v4 =	vld.idx.msk [tilespmem:v11+s3+$0x0], $0xffff  }
0x70: {  	v63 =	vmul.f32 v12, v10;
	[tilespmem:s23+$0x20] =	vst v13;
	v5 =	vld.idx.msk [tilespmem:v11+s26+$0x0], $0xffff;
	v9 =	vpop (erf)  }
0x71: {  	v13 =	vmul.f32 v14, v61;
	[tilespmem:s23+$0xFFFFFFB0] =	vst v6;
	v6 =	vld.idx.msk [tilespmem:v7+s3+$0x0], $0xffff;
	v10 =	vpop (erf)  }
0x72: {  	s16 =	simm.s32 $0x4280;
	s15 =	simm.s32 $0x0;
	v12 =	vmul.f32 v18, v20;
	[tilespmem:s23+$0x30] =	vst v63;
	v7 =	vld.idx.msk [tilespmem:v7+s26+$0x0], $0xffff;
	v11 =	vpop (erf)  }
.LBB2_2:
0x73: {  	v14 =	vld [tilespmem:s16+$0x70];
	s15 =	sadd.s32 $0x80, s15;
	v1 =	vmul.f32 v1, v2;
	[tilespmem:s23+$0xFFFFFFC0] =	vst v13;
	v2 =	vpop (erf)  }
0x74: {  	v3 =	vmul.f32 v8, v3;
	v13 =	vld [tilespmem:s16+$0xFFFFFF80];
	p4 =	slt.u32 s15, $0x1F80;
	[tilespmem:s23+$0xFFFFFF80] =	vst v12;
	v8 =	vpop (erf)  }
0x75: {  	v12 =	vld [tilespmem:s16+$0x0];
	[tilespmem:s23+$0x0] =	vst v1;
	v1 =	vmul.f32 v9, v4;
	v0 =	vmul.f32 v8, v0  }
0x76: {  	v4 =	vld [tilespmem:s16+$0xFFFFFF90];
	[tilespmem:s23+$0x40] =	vst v3;
	v3 =	vmul.f32 v10, v5  }
0x77: {  	s1 =	sadd.s32 $0x80, s1;
	v5 =	vld [tilespmem:s16+$0x10];
	[tilespmem:s23+$0xFFFFFFD0] =	vst v1;
	v1 =	vmul.f32 v11, v6  }
0x78: {  	v2 =	vmul.f32 v2, v7;
	v6 =	vld [tilespmem:s1+$0x30];
	v8 =	vmax.f32 v14, $-4.000000000e+00;
	[tilespmem:s23+$0x50] =	vst v3  }
0x79: {  	v3 =	vmax.f32 v13, $-4.000000000e+00;
	v7 =	vld [tilespmem:s16+$0xFFFFFFA0];
	v8 =	vmin.f32 v8, $4.000000000e+00;
	[tilespmem:s23+$0xFFFFFFE0] =	vst v1  }
0x7a: {  	v1 =	vmin.f32 v3, $4.000000000e+00;
	v3 =	vmax.f32 v12, $-4.000000000e+00;
	v9 =	vld [tilespmem:s16+$0x20];
	v8 =	vmul.f32 $1.442695020e+00, v8;
	[tilespmem:s23+$0x60] =	vst v2  }
0x7b: {  	v1 =	vmul.f32 $1.442695020e+00, v1;
	v2 =	vmin.f32 v3, $4.000000000e+00;
	v3 =	vmax.f32 v4, $-4.000000000e+00;
	v4 =	vld [tilespmem:s16+$0xFFFFFFB0];
	[tilespmem:s23+$0xFFFFFFF0] =	vst v0  }
0x7c: {  	v0 =	vmin.f32 v3, $4.000000000e+00;
	v3 =	vmax.f32 v5, $-4.000000000e+00;
	v5 =	vld [tilespmem:s16+$0x30];
	(erf) = vpow2.f32 v8  }
0x7d: {  	v2 =	vmul.f32 $1.442695020e+00, v2;
	v0 =	vmul.f32 $1.442695020e+00, v0;
	v3 =	vmin.f32 v3, $4.000000000e+00;
	v8 =	vld [tilespmem:s16+$0xFFFFFFC0]  }
0x7e: {  	v3 =	vmul.f32 $1.442695020e+00, v3;
	v7 =	vmax.f32 v7, $-4.000000000e+00;
	v10 =	vld [tilespmem:s16+$0x40];
	(erf) = vpow2.f32 v1  }
0x7f: {  	v1 =	vmin.f32 v7, $4.000000000e+00;
	v7 =	vmax.f32 v9, $-4.000000000e+00;
	v9 =	vld [tilespmem:s16+$0xFFFFFFD0];
	(erf) = vpow2.f32 v2  }
0x80: {  	v2 =	vmul.f32 $1.442695020e+00, v1;
	v1 =	vmin.f32 v7, $4.000000000e+00;
	v4 =	vmax.f32 v4, $-4.000000000e+00;
	v7 =	vld.idx.msk [tilespmem:v6+s26+$0x0], $0xffff  }
0x81: {  	v11 =	vmul.f32 $1.442695020e+00, v1;
	v1 =	vmin.f32 v4, $4.000000000e+00;
	v4 =	vmax.f32 v5, $-4.000000000e+00;
	v5 =	vld [tilespmem:s16+$0x50]  }
0x82: {  	v12 =	vmul.f32 $1.442695020e+00, v1;
	v1 =	vmin.f32 v4, $4.000000000e+00;
	v4 =	vmax.f32 v8, $-4.000000000e+00;
	v8 =	vld [tilespmem:s16+$0xFFFFFFE0]  }
0x83: {  	v13 =	vmul.f32 $1.442695020e+00, v1;
	v1 =	vmin.f32 v4, $4.000000000e+00;
	v4 =	vmax.f32 v10, $-4.000000000e+00;
	v10 =	vld [tilespmem:s16+$0x60]  }
0x84: {  	v14 =	vld [tilespmem:s1+$0xFFFFFFD0];
	v15 =	vmul.f32 $1.442695020e+00, v1;
	v1 =	vmin.f32 v4, $4.000000000e+00;
	v4 =	vmax.f32 v9, $-4.000000000e+00  }
0x85: {  	v9 =	vld [tilespmem:s1+$0xFFFFFFE0];
	v16 =	vmul.f32 $1.442695020e+00, v1;
	v1 =	vmin.f32 v4, $4.000000000e+00;
	(erf) = vpow2.f32 v0;
	v0 =	vpop (erf)  }
0x86: {  	v4 =	vld [tilespmem:s1+$0xFFFFFFF0];
	v17 =	vmul.f32 $1.442695020e+00, v1;
	v20 =	vmax.f32 v5, $-4.000000000e+00;
	v5 =	vmul.f32 v0, v7  }
0x87: {  	s23 =	sadd.s32 $0x100, s23;
	v0 =	vmin.f32 v20, $4.000000000e+00;
	v19 =	vmax.f32 v8, $-4.000000000e+00;
	v7 =	vld [tilespmem:s16+$0xFFFFFFF0];
	v18 =	vpop (erf);
	(erf) = vpow2.f32 v3  }
0x88: {  	v3 =	vmul.f32 $1.442695020e+00, v0;
	v8 =	vmin.f32 v19, $4.000000000e+00;
	v10 =	vmax.f32 v10, $-4.000000000e+00;
	v0 =	vld.idx.msk [tilespmem:v6+s3+$0x0], $0xffff;
	[tilespmem:s23+$0x70] =	vst v5;
	v1 =	vpop (erf)  }
0x89: {  	v5 =	vld [tilespmem:s1+$0x0];
	v6 =	vmul.f32 $1.442695020e+00, v8;
	v8 =	vmin.f32 v10, $4.000000000e+00;
	(erf) = vpow2.f32 v2  }
0x8a: {  	v10 =	vld [tilespmem:s1+$0x10];
	v2 =	vmul.f32 $1.442695020e+00, v8;
	(erf) = vpow2.f32 v11  }
0x8b: {  	v11 =	vld [tilespmem:s1+$0x20];
	(erf) = vpow2.f32 v12  }
0x8c: {  	v8 =	vld [tilespmem:s1+$0xFFFFFFC0];
	v7 =	vmax.f32 v7, $-4.000000000e+00;
	(erf) = vpow2.f32 v13  }
0x8d: {  	v12 =	vld.idx.msk [tilespmem:v14+s3+$0x0], $0xffff;
	v7 =	vmin.f32 v7, $4.000000000e+00;
	(erf) = vpow2.f32 v15  }
0x8e: {  	v13 =	vld.idx.msk [tilespmem:v14+s26+$0x0], $0xffff;
	v7 =	vmul.f32 $1.442695020e+00, v7;
	v14 =	vpop (erf);
	(erf) = vpow2.f32 v16  }
0x8f: {  	v15 =	vld.idx.msk [tilespmem:v9+s3+$0x0], $0xffff;
	(erf) = vpow2.f32 v17  }
0x90: {  	v9 =	vld.idx.msk [tilespmem:v9+s26+$0x0], $0xffff;
	v16 =	vpop (erf);
	(erf) = vpow2.f32 v3  }
0x91: {  	v17 =	vld.idx.msk [tilespmem:v4+s3+$0x0], $0xffff;
	(erf) = vpow2.f32 v6  }
0x92: {  	v6 =	vld.idx.msk [tilespmem:v4+s26+$0x0], $0xffff;
	v3 =	vpop (erf);
	(erf) = vpow2.f32 v2  }
0x93: {  	v4 =	vmul.f32 v14, v12;
	v12 =	vld.idx.msk [tilespmem:v5+s3+$0x0], $0xffff;
	v14 =	vpop (erf);
	(erf) = vpow2.f32 v7  }
0x94: {  	v19 =	vmul.f32 v16, v13;
	v7 =	vld.idx.msk [tilespmem:v8+s3+$0x0], $0xffff;
	v16 =	vpop (erf)  }
0x95: {  	v2 =	vld.idx.msk [tilespmem:v8+s26+$0x0], $0xffff;
	[tilespmem:s23+$0xFFFFFF90] =	vst v4;
	v4 =	vmul.f32 v3, v15;
	v15 =	vpop (erf)  }
.Ltmp2:
0x96: {  	[tilespmem:s23+$0x10] =	vst v19;
	v19 =	vmul.f32 v14, v9;
	v3 =	vld.idx.msk [tilespmem:v5+s26+$0x0], $0xffff;
	v13 =	vpop (erf);
	(pc) =	sbr.rel @p4 .LBB2_2-.Ltmp2, $4  }
0x97: {  	v14 =	vmul.f32 v16, v17;
	[tilespmem:s23+$0xFFFFFFA0] =	vst v4;
	v4 =	vld.idx.msk [tilespmem:v10+s3+$0x0], $0xffff;
	v8 =	vpop (erf)  }
0x98: {  	v15 =	vmul.f32 v15, v6;
	[tilespmem:s23+$0x20] =	vst v19;
	v5 =	vld.idx.msk [tilespmem:v10+s26+$0x0], $0xffff;
	v9 =	vpop (erf)  }
0x99: {  	v13 =	vmul.f32 v13, v12;
	[tilespmem:s23+$0xFFFFFFB0] =	vst v14;
	v6 =	vld.idx.msk [tilespmem:v11+s3+$0x0], $0xffff;
	v10 =	vpop (erf)  }
0x9a: {  	s16 =	sadd.s32 $0x100, s16;
	v12 =	vmul.f32 v18, v7;
	[tilespmem:s23+$0x30] =	vst v15;
	v7 =	vld.idx.msk [tilespmem:v11+s26+$0x0], $0xffff;
	v11 =	vpop (erf)  }
0x9b: {  	v1 =	vmul.f32 v1, v2;
	[tilespmem:s23+$0xFFFFFFC0] =	vst v13  }
0x9c: {  	v2 =	vmul.f32 v8, v3;
	[tilespmem:s23+$0xFFFFFF80] =	vst v12  }
0x9d: {  	v3 =	vpop (erf);
	[tilespmem:s23+$0x0] =	vst v1;
	v1 =	vmul.f32 v9, v4  }
0x9e: {  	[tilespmem:s23+$0x40] =	vst v2;
	v2 =	vmul.f32 v10, v5;
	v4 =	vpop (erf)  }
0x9f: {  	v0 =	vmul.f32 v4, v0;
	[tilespmem:s23+$0xFFFFFFD0] =	vst v1  }
0xa0: {  	v1 =	vmul.f32 v11, v6;
	[tilespmem:s23+$0x50] =	vst v2  }
0xa1: {  	v2 =	vmul.f32 v3, v7;
	[tilespmem:s23+$0xFFFFFFF0] =	vst v0  }
0xa2: {  	[tilespmem:s23+$0xFFFFFFE0] =	vst v1  }
0xa3: {  	[tilespmem:s23+$0x60] =	vst v2  }
0xa4: {  	[hbm4b:s8+s3] =	stream.linear.scatter [tilespmem:s28], [sflag:$0x3], $0x4000, $0x38;
	[tilespmem:$0x14100] =	vst v63  }
0xa5: {  	_ = 	snop  }
0xa6: {  	[tilespmem:s20], [sflag:$0x1] =	stream.linear.gather [hbm4b:s9+s3], $0x2000, $0x38;
	[tilespmem:$0x14100] =	vst v63  }
0xa7: {  	_ = 	snop  }
0xa8: {  	[tilespmem:s21], [sflag:$0x1] =	stream.linear.gather [hbm4b:s10+s3], $0x4000, $0x38;
	[tilespmem:$0x14100] =	vst v63  }
0xa9: {  	_ =	swait.ge [sflag:s29], $0x2000  }
0xaa: {  	[sflag:s29] =	ssyncset.done $0x0  }
0xab: {  	[sflag:s29] =	ssyncadd.s32 $0xFFFFE000  }
0xac: {  	_ =	swait.ge [sflag:s29], $0x4000  }
0xad: {  	[sflag:s29] =	ssyncset.done $0x0  }
0xae: {  	s15 =	simm.s32 $0x8180;
	[sflag:s29] =	ssyncadd.s32 $0xFFFFC000  }
0xaf: {  	v0 =	vld [tilespmem:s15+$0x70]  }
0xb0: {  	v1 =	vld [tilespmem:s15+$0xFFFFFF80]  }
0xb1: {  	v2 =	vld [tilespmem:s15+$0x0]  }
0xb2: {  	v3 =	vld [tilespmem:s15+$0xFFFFFF90]  }
0xb3: {  	v4 =	vld [tilespmem:s15+$0x10]  }
0xb4: {  	v6 =	vld [tilespmem:s15+$0xFFFFFFA0]  }
0xb5: {  	v7 =	vld [tilespmem:s15+$0x20];
	_ =	sdelay $0x1  }
0xb6: {  	s1 =	simm.s32 $0x2140  }
0xb7: {  	v5 =	vld [tilespmem:s1+$0x30];
	v0 =	vmax.f32 v0, $-4.000000000e+00;
	v1 =	vmax.f32 v1, $-4.000000000e+00  }
0xb8: {  	v8 =	vld [tilespmem:s15+$0xFFFFFFB0];
	v2 =	vmax.f32 v2, $-4.000000000e+00;
	v3 =	vmax.f32 v3, $-4.000000000e+00;
	v4 =	vmax.f32 v4, $-4.000000000e+00  }
0xb9: {  	v9 =	vld [tilespmem:s15+$0x30];
	v6 =	vmax.f32 v6, $-4.000000000e+00;
	v7 =	vmax.f32 v7, $-4.000000000e+00;
	v0 =	vmin.f32 v0, $4.000000000e+00  }
0xba: {  	v10 =	vld [tilespmem:s15+$0xFFFFFFC0];
	v1 =	vmin.f32 v1, $4.000000000e+00;
	v3 =	vmin.f32 v3, $4.000000000e+00;
	v0 =	vmul.f32 $1.442695020e+00, v0  }
0xbb: {  	v11 =	vld [tilespmem:s15+$0x40];
	v2 =	vmin.f32 v2, $4.000000000e+00;
	v1 =	vmul.f32 $1.442695020e+00, v1;
	v3 =	vmul.f32 $1.442695020e+00, v3  }
0xbc: {  	v12 =	vld [tilespmem:s15+$0xFFFFFFD0];
	v4 =	vmin.f32 v4, $4.000000000e+00;
	(erf) = vpow2.f32 v0;
	v0 =	vmul.f32 $1.442695020e+00, v2  }
0xbd: {  	v14 =	vld [tilespmem:s15+$0xFFFFFFE0];
	v7 =	vmin.f32 v7, $4.000000000e+00;
	v4 =	vmul.f32 $1.442695020e+00, v4;
	(erf) = vpow2.f32 v1  }
0xbe: {  	v2 =	vld [tilespmem:s15+$0x50];
	v1 =	vmin.f32 v6, $4.000000000e+00;
	(erf) = vpow2.f32 v0;
	v0 =	vmax.f32 v8, $-4.000000000e+00  }
0xbf: {  	v7 =	vmul.f32 $1.442695020e+00, v7;
	v8 =	vld [tilespmem:s1+$0xFFFFFFD0];
	v1 =	vmul.f32 $1.442695020e+00, v1;
	v0 =	vmin.f32 v0, $4.000000000e+00  }
0xc0: {  	v15 =	vld [tilespmem:s1+$0xFFFFFFE0];
	v9 =	vmax.f32 v9, $-4.000000000e+00;
	(erf) = vpow2.f32 v3;
	v16 =	vmul.f32 $1.442695020e+00, v0  }
0xc1: {  	v17 =	vld [tilespmem:s1+$0xFFFFFFF0];
	v0 =	vmin.f32 v9, $4.000000000e+00;
	v9 =	vmax.f32 v10, $-4.000000000e+00;
	(erf) = vpow2.f32 v4  }
0xc2: {  	v13 =	vld.idx.msk [tilespmem:v5+s26+$0x0], $0xffff;
	v4 =	vmax.f32 v11, $-4.000000000e+00;
	v10 =	vmul.f32 $1.442695020e+00, v0;
	v9 =	vmin.f32 v9, $4.000000000e+00  }
0xc3: {  	v6 =	vld [tilespmem:s15+$0x60];
	(erf) = vpow2.f32 v1;
	v1 =	vmin.f32 v4, $4.000000000e+00;
	v4 =	vmax.f32 v12, $-4.000000000e+00  }
0xc4: {  	v0 =	vld.idx.msk [tilespmem:v5+s3+$0x0], $0xffff;
	v2 =	vmax.f32 v2, $-4.000000000e+00;
	v5 =	vmul.f32 $1.442695020e+00, v9;
	(erf) = vpow2.f32 v7  }
0xc5: {  	v3 =	vld [tilespmem:s15+$0xFFFFFFF0];
	v1 =	vmul.f32 $1.442695020e+00, v1;
	v4 =	vmin.f32 v4, $4.000000000e+00;
	(erf) = vpow2.f32 v16  }
0xc6: {  	v12 =	vld [tilespmem:s1+$0xFFFFFFC0];
	v2 =	vmin.f32 v2, $4.000000000e+00;
	v4 =	vmul.f32 $1.442695020e+00, v4;
	(erf) = vpow2.f32 v10  }
0xc7: {  	v14 =	vmax.f32 v14, $-4.000000000e+00;
	v2 =	vmul.f32 $1.442695020e+00, v2;
	v10 =	vpop (erf);
	(erf) = vpow2.f32 v5;
	v60 =	vld.idx.msk [tilespmem:v8+s3+$0x0], $0xffff  }
0xc8: {  	v5 =	vmin.f32 v14, $4.000000000e+00;
	v18 =	vpop (erf);
	v8 =	vld.idx.msk [tilespmem:v8+s26+$0x0], $0xffff;
	(erf) = vpow2.f32 v1  }
0xc9: {  	v9 =	vld [tilespmem:s1+$0x0];
	v5 =	vmul.f32 $1.442695020e+00, v5;
	v1 =	vpop (erf);
	(erf) = vpow2.f32 v4  }
0xca: {  	v14 =	vld.idx.msk [tilespmem:v15+s3+$0x0], $0xffff;
	v4 =	vpop (erf);
	(erf) = vpow2.f32 v2  }
0xcb: {  	v15 =	vld.idx.msk [tilespmem:v15+s26+$0x0], $0xffff;
	v2 =	vpop (erf);
	(erf) = vpow2.f32 v5;
	v5 =	vmul.f32 v10, v13  }
0xcc: {  	s23 =	simm.s32 $0x10180;
	v19 =	vld.idx.msk [tilespmem:v17+s3+$0x0], $0xffff;
	v4 =	vmul.f32 v4, v60  }
0xcd: {  	v11 =	vld [tilespmem:s1+$0x10];
	v6 =	vmax.f32 v6, $-4.000000000e+00;
	v13 =	vpop (erf);
	[tilespmem:s23+$0x70] =	vst v5;
	v5 =	vmul.f32 v2, v8  }
0xce: {  	v7 =	vld [tilespmem:s1+$0x20];
	v3 =	vmax.f32 v3, $-4.000000000e+00;
	v62 =	vpop (erf);
	[tilespmem:s23+$0xFFFFFF90] =	vst v4;
	v4 =	vmin.f32 v6, $4.000000000e+00  }
0xcf: {  	v20 =	vld.idx.msk [tilespmem:v12+s3+$0x0], $0xffff;
	v8 =	vpop (erf);
	v6 =	vmul.f32 v13, v14;
	[tilespmem:s23+$0x10] =	vst v5;
	v5 =	vmul.f32 $1.442695020e+00, v4;
	v4 =	vmin.f32 v3, $4.000000000e+00  }
0xd0: {  	v2 =	vld.idx.msk [tilespmem:v12+s26+$0x0], $0xffff;
	v12 =	vpop (erf);
	v13 =	vmul.f32 v62, v15;
	v15 =	vmul.f32 $1.442695020e+00, v4  }
0xd1: {  	v14 =	vpop (erf);
	(erf) = vpow2.f32 v5  }
0xd2: {  	v10 =	vld.idx.msk [tilespmem:v17+s26+$0x0], $0xffff;
	[tilespmem:s23+$0xFFFFFFA0] =	vst v6;
	v6 =	vmul.f32 v8, v19;
	v8 =	vpop (erf);
	(erf) = vpow2.f32 v15  }
0xd3: {  	v61 =	vld.idx.msk [tilespmem:v9+s3+$0x0], $0xffff;
	_ =	sdelay $0x1  }
0xd4: {  	v3 =	vld.idx.msk [tilespmem:v9+s26+$0x0], $0xffff  }
0xd5: {  	v4 =	vld.idx.msk [tilespmem:v11+s3+$0x0], $0xffff  }
0xd6: {  	v63 =	vmul.f32 v12, v10;
	[tilespmem:s23+$0x20] =	vst v13;
	v5 =	vld.idx.msk [tilespmem:v11+s26+$0x0], $0xffff;
	v9 =	vpop (erf)  }
0xd7: {  	v13 =	vmul.f32 v14, v61;
	[tilespmem:s23+$0xFFFFFFB0] =	vst v6;
	v6 =	vld.idx.msk [tilespmem:v7+s3+$0x0], $0xffff;
	v10 =	vpop (erf)  }
0xd8: {  	s16 =	simm.s32 $0x8280;
	s15 =	simm.s32 $0x0;
	v12 =	vmul.f32 v18, v20;
	[tilespmem:s23+$0x30] =	vst v63;
	v7 =	vld.idx.msk [tilespmem:v7+s26+$0x0], $0xffff;
	v11 =	vpop (erf)  }
.LBB2_4:
0xd9: {  	v14 =	vld [tilespmem:s16+$0x70];
	s15 =	sadd.s32 $0x80, s15;
	v1 =	vmul.f32 v1, v2;
	[tilespmem:s23+$0xFFFFFFC0] =	vst v13;
	v2 =	vpop (erf)  }
0xda: {  	v3 =	vmul.f32 v8, v3;
	v13 =	vld [tilespmem:s16+$0xFFFFFF80];
	p4 =	slt.u32 s15, $0x1F80;
	[tilespmem:s23+$0xFFFFFF80] =	vst v12;
	v8 =	vpop (erf)  }
0xdb: {  	v12 =	vld [tilespmem:s16+$0x0];
	[tilespmem:s23+$0x0] =	vst v1;
	v1 =	vmul.f32 v9, v4;
	v0 =	vmul.f32 v8, v0  }
0xdc: {  	v4 =	vld [tilespmem:s16+$0xFFFFFF90];
	[tilespmem:s23+$0x40] =	vst v3;
	v3 =	vmul.f32 v10, v5  }
0xdd: {  	s1 =	sadd.s32 $0x80, s1;
	v5 =	vld [tilespmem:s16+$0x10];
	[tilespmem:s23+$0xFFFFFFD0] =	vst v1;
	v1 =	vmul.f32 v11, v6  }
0xde: {  	v2 =	vmul.f32 v2, v7;
	v6 =	vld [tilespmem:s1+$0x30];
	v8 =	vmax.f32 v14, $-4.000000000e+00;
	[tilespmem:s23+$0x50] =	vst v3  }
0xdf: {  	v3 =	vmax.f32 v13, $-4.000000000e+00;
	v7 =	vld [tilespmem:s16+$0xFFFFFFA0];
	v8 =	vmin.f32 v8, $4.000000000e+00;
	[tilespmem:s23+$0xFFFFFFE0] =	vst v1  }
0xe0: {  	v1 =	vmin.f32 v3, $4.000000000e+00;
	v3 =	vmax.f32 v12, $-4.000000000e+00;
	v9 =	vld [tilespmem:s16+$0x20];
	v8 =	vmul.f32 $1.442695020e+00, v8;
	[tilespmem:s23+$0x60] =	vst v2  }
0xe1: {  	v1 =	vmul.f32 $1.442695020e+00, v1;
	v2 =	vmin.f32 v3, $4.000000000e+00;
	v3 =	vmax.f32 v4, $-4.000000000e+00;
	v4 =	vld [tilespmem:s16+$0xFFFFFFB0];
	[tilespmem:s23+$0xFFFFFFF0] =	vst v0  }
0xe2: {  	v0 =	vmin.f32 v3, $4.000000000e+00;
	v3 =	vmax.f32 v5, $-4.000000000e+00;
	v5 =	vld [tilespmem:s16+$0x30];
	(erf) = vpow2.f32 v8  }
0xe3: {  	v2 =	vmul.f32 $1.442695020e+00, v2;
	v0 =	vmul.f32 $1.442695020e+00, v0;
	v3 =	vmin.f32 v3, $4.000000000e+00;
	v8 =	vld [tilespmem:s16+$0xFFFFFFC0]  }
0xe4: {  	v3 =	vmul.f32 $1.442695020e+00, v3;
	v7 =	vmax.f32 v7, $-4.000000000e+00;
	v10 =	vld [tilespmem:s16+$0x40];
	(erf) = vpow2.f32 v1  }
0xe5: {  	v1 =	vmin.f32 v7, $4.000000000e+00;
	v7 =	vmax.f32 v9, $-4.000000000e+00;
	v9 =	vld [tilespmem:s16+$0xFFFFFFD0];
	(erf) = vpow2.f32 v2  }
0xe6: {  	v2 =	vmul.f32 $1.442695020e+00, v1;
	v1 =	vmin.f32 v7, $4.000000000e+00;
	v4 =	vmax.f32 v4, $-4.000000000e+00;
	v7 =	vld.idx.msk [tilespmem:v6+s26+$0x0], $0xffff  }
0xe7: {  	v11 =	vmul.f32 $1.442695020e+00, v1;
	v1 =	vmin.f32 v4, $4.000000000e+00;
	v4 =	vmax.f32 v5, $-4.000000000e+00;
	v5 =	vld [tilespmem:s16+$0x50]  }
0xe8: {  	v12 =	vmul.f32 $1.442695020e+00, v1;
	v1 =	vmin.f32 v4, $4.000000000e+00;
	v4 =	vmax.f32 v8, $-4.000000000e+00;
	v8 =	vld [tilespmem:s16+$0xFFFFFFE0]  }
0xe9: {  	v13 =	vmul.f32 $1.442695020e+00, v1;
	v1 =	vmin.f32 v4, $4.000000000e+00;
	v4 =	vmax.f32 v10, $-4.000000000e+00;
	v10 =	vld [tilespmem:s16+$0x60]  }
0xea: {  	v14 =	vld [tilespmem:s1+$0xFFFFFFD0];
	v15 =	vmul.f32 $1.442695020e+00, v1;
	v1 =	vmin.f32 v4, $4.000000000e+00;
	v4 =	vmax.f32 v9, $-4.000000000e+00  }
0xeb: {  	v9 =	vld [tilespmem:s1+$0xFFFFFFE0];
	v16 =	vmul.f32 $1.442695020e+00, v1;
	v1 =	vmin.f32 v4, $4.000000000e+00;
	(erf) = vpow2.f32 v0;
	v0 =	vpop (erf)  }
0xec: {  	v4 =	vld [tilespmem:s1+$0xFFFFFFF0];
	v17 =	vmul.f32 $1.442695020e+00, v1;
	v20 =	vmax.f32 v5, $-4.000000000e+00;
	v5 =	vmul.f32 v0, v7  }
0xed: {  	s23 =	sadd.s32 $0x100, s23;
	v0 =	vmin.f32 v20, $4.000000000e+00;
	v19 =	vmax.f32 v8, $-4.000000000e+00;
	v7 =	vld [tilespmem:s16+$0xFFFFFFF0];
	v18 =	vpop (erf);
	(erf) = vpow2.f32 v3  }
0xee: {  	v3 =	vmul.f32 $1.442695020e+00, v0;
	v8 =	vmin.f32 v19, $4.000000000e+00;
	v10 =	vmax.f32 v10, $-4.000000000e+00;
	v0 =	vld.idx.msk [tilespmem:v6+s3+$0x0], $0xffff;
	[tilespmem:s23+$0x70] =	vst v5;
	v1 =	vpop (erf)  }
0xef: {  	v5 =	vld [tilespmem:s1+$0x0];
	v6 =	vmul.f32 $1.442695020e+00, v8;
	v8 =	vmin.f32 v10, $4.000000000e+00;
	(erf) = vpow2.f32 v2  }
0xf0: {  	v10 =	vld [tilespmem:s1+$0x10];
	v2 =	vmul.f32 $1.442695020e+00, v8;
	(erf) = vpow2.f32 v11  }
0xf1: {  	v11 =	vld [tilespmem:s1+$0x20];
	(erf) = vpow2.f32 v12  }
0xf2: {  	v8 =	vld [tilespmem:s1+$0xFFFFFFC0];
	v7 =	vmax.f32 v7, $-4.000000000e+00;
	(erf) = vpow2.f32 v13  }
0xf3: {  	v12 =	vld.idx.msk [tilespmem:v14+s3+$0x0], $0xffff;
	v7 =	vmin.f32 v7, $4.000000000e+00;
	(erf) = vpow2.f32 v15  }
0xf4: {  	v13 =	vld.idx.msk [tilespmem:v14+s26+$0x0], $0xffff;
	v7 =	vmul.f32 $1.442695020e+00, v7;
	v14 =	vpop (erf);
	(erf) = vpow2.f32 v16  }
0xf5: {  	v15 =	vld.idx.msk [tilespmem:v9+s3+$0x0], $0xffff;
	(erf) = vpow2.f32 v17  }
0xf6: {  	v9 =	vld.idx.msk [tilespmem:v9+s26+$0x0], $0xffff;
	v16 =	vpop (erf);
	(erf) = vpow2.f32 v3  }
0xf7: {  	v17 =	vld.idx.msk [tilespmem:v4+s3+$0x0], $0xffff;
	(erf) = vpow2.f32 v6  }
0xf8: {  	v6 =	vld.idx.msk [tilespmem:v4+s26+$0x0], $0xffff;
	v3 =	vpop (erf);
	(erf) = vpow2.f32 v2  }
0xf9: {  	v4 =	vmul.f32 v14, v12;
	v12 =	vld.idx.msk [tilespmem:v5+s3+$0x0], $0xffff;
	v14 =	vpop (erf);
	(erf) = vpow2.f32 v7  }
0xfa: {  	v19 =	vmul.f32 v16, v13;
	v7 =	vld.idx.msk [tilespmem:v8+s3+$0x0], $0xffff;
	v16 =	vpop (erf)  }
0xfb: {  	v2 =	vld.idx.msk [tilespmem:v8+s26+$0x0], $0xffff;
	[tilespmem:s23+$0xFFFFFF90] =	vst v4;
	v4 =	vmul.f32 v3, v15;
	v15 =	vpop (erf)  }
.Ltmp3:
0xfc: {  	[tilespmem:s23+$0x10] =	vst v19;
	v19 =	vmul.f32 v14, v9;
	v3 =	vld.idx.msk [tilespmem:v5+s26+$0x0], $0xffff;
	v13 =	vpop (erf);
	(pc) =	sbr.rel @p4 .LBB2_4-.Ltmp3, $4  }
0xfd: {  	v14 =	vmul.f32 v16, v17;
	[tilespmem:s23+$0xFFFFFFA0] =	vst v4;
	v4 =	vld.idx.msk [tilespmem:v10+s3+$0x0], $0xffff;
	v8 =	vpop (erf)  }
0xfe: {  	v15 =	vmul.f32 v15, v6;
	[tilespmem:s23+$0x20] =	vst v19;
	v5 =	vld.idx.msk [tilespmem:v10+s26+$0x0], $0xffff;
	v9 =	vpop (erf)  }
0xff: {  	v13 =	vmul.f32 v13, v12;
	[tilespmem:s23+$0xFFFFFFB0] =	vst v14;
	v6 =	vld.idx.msk [tilespmem:v11+s3+$0x0], $0xffff;
	v10 =	vpop (erf)  }
0x100: {  	s16 =	sadd.s32 $0x100, s16;
	v12 =	vmul.f32 v18, v7;
	[tilespmem:s23+$0x30] =	vst v15;
	v7 =	vld.idx.msk [tilespmem:v11+s26+$0x0], $0xffff;
	v11 =	vpop (erf)  }
0x101: {  	v1 =	vmul.f32 v1, v2;
	[tilespmem:s23+$0xFFFFFFC0] =	vst v13  }
0x102: {  	v2 =	vmul.f32 v8, v3;
	[tilespmem:s23+$0xFFFFFF80] =	vst v12  }
0x103: {  	v3 =	vpop (erf);
	[tilespmem:s23+$0x0] =	vst v1;
	v1 =	vmul.f32 v9, v4  }
0x104: {  	[tilespmem:s23+$0x40] =	vst v2;
	v2 =	vmul.f32 v10, v5;
	v4 =	vpop (erf)  }
0x105: {  	v0 =	vmul.f32 v4, v0;
	[tilespmem:s23+$0xFFFFFFD0] =	vst v1  }
0x106: {  	v1 =	vmul.f32 v11, v6;
	[tilespmem:s23+$0x50] =	vst v2  }
0x107: {  	v2 =	vmul.f32 v3, v7;
	[tilespmem:s23+$0xFFFFFFF0] =	vst v0  }
0x108: {  	[tilespmem:s23+$0xFFFFFFE0] =	vst v1  }
0x109: {  	[tilespmem:s23+$0x60] =	vst v2  }
0x10a: {  	[hbm4b:s11+s3] =	stream.linear.scatter [tilespmem:s30], [sflag:$0x4], $0x4000, $0x38;
	[tilespmem:$0x14100] =	vst v63  }
0x10b: {  	s1 =	simm.s32 @!p3 $0x0;
	s15 =	simm.s32 @!p3 $0x2100  }
0x10c: {  	[tilespmem:s15], [sflag:$0x2] =	stream.linear.gather @!p3 [hbm4b:s12+s1], $0x2000, $0x38;
	[tilespmem:$0x14100] =	vst v63  }
0x10d: {  	s15 =	simm.s32 @!p3 $0x8100  }
0x10e: {  	[tilespmem:s15], [sflag:$0x2] =	stream.linear.gather @!p3 [hbm4b:s13+s1], $0x4000, $0x38;
	[tilespmem:$0x14100] =	vst v63  }
0x10f: {  	_ =	swait.ge [sflag:s25], $0x2000  }
0x110: {  	[sflag:s25] =	ssyncset.done $0x0  }
0x111: {  	[sflag:s25] =	ssyncadd.s32 $0xFFFFE000  }
0x112: {  	_ =	swait.ge [sflag:s25], $0x4000  }
0x113: {  	[sflag:s25] =	ssyncset.done $0x0  }
0x114: {  	[sflag:s25] =	ssyncadd.s32 $0xFFFFC000  }
0x115: {  	_ =	swait.ge [sflag:s22], $0x4000  }
0x116: {  	[sflag:s22] =	ssyncset.done $0x0  }
0x117: {  	s23 =	simm.s32 $0x4180;
	[sflag:s22] =	ssyncadd.s32 $0xFFFFC000  }
0x118: {  	v0 =	vld [tilespmem:s23+$0x70]  }
0x119: {  	v1 =	vld [tilespmem:s23+$0xFFFFFF80]  }
0x11a: {  	v2 =	vld [tilespmem:s23+$0x0]  }
0x11b: {  	v3 =	vld [tilespmem:s23+$0xFFFFFF90]  }
0x11c: {  	v4 =	vld [tilespmem:s23+$0x10]  }
0x11d: {  	v6 =	vld [tilespmem:s23+$0xFFFFFFA0]  }
0x11e: {  	v7 =	vld [tilespmem:s23+$0x20];
	_ =	sdelay $0x1  }
0x11f: {  	s1 =	simm.s32 $0x140  }
0x120: {  	v5 =	vld [tilespmem:s1+$0x30];
	v0 =	vmax.f32 v0, $-4.000000000e+00;
	v1 =	vmax.f32 v1, $-4.000000000e+00  }
0x121: {  	v8 =	vld [tilespmem:s23+$0xFFFFFFB0];
	v2 =	vmax.f32 v2, $-4.000000000e+00;
	v3 =	vmax.f32 v3, $-4.000000000e+00;
	v4 =	vmax.f32 v4, $-4.000000000e+00  }
0x122: {  	v9 =	vld [tilespmem:s23+$0x30];
	v6 =	vmax.f32 v6, $-4.000000000e+00;
	v7 =	vmax.f32 v7, $-4.000000000e+00;
	v0 =	vmin.f32 v0, $4.000000000e+00  }
0x123: {  	v10 =	vld [tilespmem:s23+$0xFFFFFFC0];
	v1 =	vmin.f32 v1, $4.000000000e+00;
	v3 =	vmin.f32 v3, $4.000000000e+00;
	v0 =	vmul.f32 $1.442695020e+00, v0  }
0x124: {  	v11 =	vld [tilespmem:s23+$0x40];
	v2 =	vmin.f32 v2, $4.000000000e+00;
	v1 =	vmul.f32 $1.442695020e+00, v1;
	v3 =	vmul.f32 $1.442695020e+00, v3  }
0x125: {  	v12 =	vld [tilespmem:s23+$0xFFFFFFD0];
	v4 =	vmin.f32 v4, $4.000000000e+00;
	(erf) = vpow2.f32 v0;
	v0 =	vmul.f32 $1.442695020e+00, v2  }
0x126: {  	v14 =	vld [tilespmem:s23+$0xFFFFFFE0];
	v7 =	vmin.f32 v7, $4.000000000e+00;
	v4 =	vmul.f32 $1.442695020e+00, v4;
	(erf) = vpow2.f32 v1  }
0x127: {  	v2 =	vld [tilespmem:s23+$0x50];
	v1 =	vmin.f32 v6, $4.000000000e+00;
	(erf) = vpow2.f32 v0;
	v0 =	vmax.f32 v8, $-4.000000000e+00  }
0x128: {  	v7 =	vmul.f32 $1.442695020e+00, v7;
	v8 =	vld [tilespmem:s1+$0xFFFFFFD0];
	v1 =	vmul.f32 $1.442695020e+00, v1;
	v0 =	vmin.f32 v0, $4.000000000e+00  }
0x129: {  	v15 =	vld [tilespmem:s1+$0xFFFFFFE0];
	v9 =	vmax.f32 v9, $-4.000000000e+00;
	(erf) = vpow2.f32 v3;
	v16 =	vmul.f32 $1.442695020e+00, v0  }
0x12a: {  	v17 =	vld [tilespmem:s1+$0xFFFFFFF0];
	v0 =	vmin.f32 v9, $4.000000000e+00;
	v9 =	vmax.f32 v10, $-4.000000000e+00;
	(erf) = vpow2.f32 v4  }
0x12b: {  	v13 =	vld.idx.msk [tilespmem:v5+s26+$0x0], $0xffff;
	v4 =	vmax.f32 v11, $-4.000000000e+00;
	v10 =	vmul.f32 $1.442695020e+00, v0;
	v9 =	vmin.f32 v9, $4.000000000e+00  }
0x12c: {  	v6 =	vld [tilespmem:s23+$0x60];
	(erf) = vpow2.f32 v1;
	v1 =	vmin.f32 v4, $4.000000000e+00;
	v4 =	vmax.f32 v12, $-4.000000000e+00  }
0x12d: {  	v0 =	vld.idx.msk [tilespmem:v5+s3+$0x0], $0xffff;
	v2 =	vmax.f32 v2, $-4.000000000e+00;
	v5 =	vmul.f32 $1.442695020e+00, v9;
	(erf) = vpow2.f32 v7  }
0x12e: {  	v3 =	vld [tilespmem:s23+$0xFFFFFFF0];
	v1 =	vmul.f32 $1.442695020e+00, v1;
	v4 =	vmin.f32 v4, $4.000000000e+00;
	(erf) = vpow2.f32 v16  }
0x12f: {  	v12 =	vld [tilespmem:s1+$0xFFFFFFC0];
	v2 =	vmin.f32 v2, $4.000000000e+00;
	v4 =	vmul.f32 $1.442695020e+00, v4;
	(erf) = vpow2.f32 v10  }
0x130: {  	v14 =	vmax.f32 v14, $-4.000000000e+00;
	v2 =	vmul.f32 $1.442695020e+00, v2;
	v10 =	vpop (erf);
	(erf) = vpow2.f32 v5;
	v60 =	vld.idx.msk [tilespmem:v8+s3+$0x0], $0xffff  }
0x131: {  	v5 =	vmin.f32 v14, $4.000000000e+00;
	v18 =	vpop (erf);
	v8 =	vld.idx.msk [tilespmem:v8+s26+$0x0], $0xffff;
	(erf) = vpow2.f32 v1  }
0x132: {  	v9 =	vld [tilespmem:s1+$0x0];
	v5 =	vmul.f32 $1.442695020e+00, v5;
	v1 =	vpop (erf);
	(erf) = vpow2.f32 v4  }
0x133: {  	v14 =	vld.idx.msk [tilespmem:v15+s3+$0x0], $0xffff;
	v4 =	vpop (erf);
	(erf) = vpow2.f32 v2  }
0x134: {  	v15 =	vld.idx.msk [tilespmem:v15+s26+$0x0], $0xffff;
	v2 =	vpop (erf);
	(erf) = vpow2.f32 v5;
	v5 =	vmul.f32 v10, v13  }
0x135: {  	v19 =	vld.idx.msk [tilespmem:v17+s3+$0x0], $0xffff;
	s23 =	simm.s32 $0xC180;
	v4 =	vmul.f32 v4, v60  }
0x136: {  	v11 =	vld [tilespmem:s1+$0x10];
	v6 =	vmax.f32 v6, $-4.000000000e+00;
	v13 =	vpop (erf);
	[tilespmem:s23+$0x70] =	vst v5;
	v5 =	vmul.f32 v2, v8  }
0x137: {  	v7 =	vld [tilespmem:s1+$0x20];
	v3 =	vmax.f32 v3, $-4.000000000e+00;
	v62 =	vpop (erf);
	[tilespmem:s23+$0xFFFFFF90] =	vst v4;
	v4 =	vmin.f32 v6, $4.000000000e+00  }
0x138: {  	v20 =	vld.idx.msk [tilespmem:v12+s3+$0x0], $0xffff;
	v8 =	vpop (erf);
	v6 =	vmul.f32 v13, v14;
	[tilespmem:s23+$0x10] =	vst v5;
	v5 =	vmul.f32 $1.442695020e+00, v4;
	v4 =	vmin.f32 v3, $4.000000000e+00  }
0x139: {  	v2 =	vld.idx.msk [tilespmem:v12+s26+$0x0], $0xffff;
	v12 =	vpop (erf);
	v13 =	vmul.f32 v62, v15;
	v15 =	vmul.f32 $1.442695020e+00, v4  }
0x13a: {  	v14 =	vpop (erf);
	(erf) = vpow2.f32 v5  }
0x13b: {  	v10 =	vld.idx.msk [tilespmem:v17+s26+$0x0], $0xffff;
	[tilespmem:s23+$0xFFFFFFA0] =	vst v6;
	v6 =	vmul.f32 v8, v19;
	v8 =	vpop (erf);
	(erf) = vpow2.f32 v15  }
0x13c: {  	v61 =	vld.idx.msk [tilespmem:v9+s3+$0x0], $0xffff;
	_ =	sdelay $0x1  }
0x13d: {  	v3 =	vld.idx.msk [tilespmem:v9+s26+$0x0], $0xffff  }
0x13e: {  	v4 =	vld.idx.msk [tilespmem:v11+s3+$0x0], $0xffff  }
0x13f: {  	v63 =	vmul.f32 v12, v10;
	[tilespmem:s23+$0x20] =	vst v13;
	v5 =	vld.idx.msk [tilespmem:v11+s26+$0x0], $0xffff;
	v9 =	vpop (erf)  }
0x140: {  	v13 =	vmul.f32 v14, v61;
	[tilespmem:s23+$0xFFFFFFB0] =	vst v6;
	v6 =	vld.idx.msk [tilespmem:v7+s3+$0x0], $0xffff;
	v10 =	vpop (erf)  }
0x141: {  	s16 =	simm.s32 $0x4280;
	s15 =	simm.s32 $0x0;
	v12 =	vmul.f32 v18, v20;
	[tilespmem:s23+$0x30] =	vst v63;
	v7 =	vld.idx.msk [tilespmem:v7+s26+$0x0], $0xffff;
	v11 =	vpop (erf)  }
.LBB2_6:
0x142: {  	v14 =	vld [tilespmem:s16+$0x70];
	s15 =	sadd.s32 $0x80, s15;
	v1 =	vmul.f32 v1, v2;
	[tilespmem:s23+$0xFFFFFFC0] =	vst v13;
	v2 =	vpop (erf)  }
0x143: {  	v3 =	vmul.f32 v8, v3;
	v13 =	vld [tilespmem:s16+$0xFFFFFF80];
	p4 =	slt.u32 s15, $0x1F80;
	[tilespmem:s23+$0xFFFFFF80] =	vst v12;
	v8 =	vpop (erf)  }
0x144: {  	v12 =	vld [tilespmem:s16+$0x0];
	[tilespmem:s23+$0x0] =	vst v1;
	v1 =	vmul.f32 v9, v4;
	v0 =	vmul.f32 v8, v0  }
0x145: {  	v4 =	vld [tilespmem:s16+$0xFFFFFF90];
	[tilespmem:s23+$0x40] =	vst v3;
	v3 =	vmul.f32 v10, v5  }
0x146: {  	s1 =	sadd.s32 $0x80, s1;
	v5 =	vld [tilespmem:s16+$0x10];
	[tilespmem:s23+$0xFFFFFFD0] =	vst v1;
	v1 =	vmul.f32 v11, v6  }
0x147: {  	v2 =	vmul.f32 v2, v7;
	v6 =	vld [tilespmem:s1+$0x30];
	v8 =	vmax.f32 v14, $-4.000000000e+00;
	[tilespmem:s23+$0x50] =	vst v3  }
0x148: {  	v3 =	vmax.f32 v13, $-4.000000000e+00;
	v7 =	vld [tilespmem:s16+$0xFFFFFFA0];
	v8 =	vmin.f32 v8, $4.000000000e+00;
	[tilespmem:s23+$0xFFFFFFE0] =	vst v1  }
0x149: {  	v1 =	vmin.f32 v3, $4.000000000e+00;
	v3 =	vmax.f32 v12, $-4.000000000e+00;
	v9 =	vld [tilespmem:s16+$0x20];
	v8 =	vmul.f32 $1.442695020e+00, v8;
	[tilespmem:s23+$0x60] =	vst v2  }
0x14a: {  	v1 =	vmul.f32 $1.442695020e+00, v1;
	v2 =	vmin.f32 v3, $4.000000000e+00;
	v3 =	vmax.f32 v4, $-4.000000000e+00;
	v4 =	vld [tilespmem:s16+$0xFFFFFFB0];
	[tilespmem:s23+$0xFFFFFFF0] =	vst v0  }
0x14b: {  	v0 =	vmin.f32 v3, $4.000000000e+00;
	v3 =	vmax.f32 v5, $-4.000000000e+00;
	v5 =	vld [tilespmem:s16+$0x30];
	(erf) = vpow2.f32 v8  }
0x14c: {  	v2 =	vmul.f32 $1.442695020e+00, v2;
	v0 =	vmul.f32 $1.442695020e+00, v0;
	v3 =	vmin.f32 v3, $4.000000000e+00;
	v8 =	vld [tilespmem:s16+$0xFFFFFFC0]  }
0x14d: {  	v3 =	vmul.f32 $1.442695020e+00, v3;
	v7 =	vmax.f32 v7, $-4.000000000e+00;
	v10 =	vld [tilespmem:s16+$0x40];
	(erf) = vpow2.f32 v1  }
0x14e: {  	v1 =	vmin.f32 v7, $4.000000000e+00;
	v7 =	vmax.f32 v9, $-4.000000000e+00;
	v9 =	vld [tilespmem:s16+$0xFFFFFFD0];
	(erf) = vpow2.f32 v2  }
0x14f: {  	v2 =	vmul.f32 $1.442695020e+00, v1;
	v1 =	vmin.f32 v7, $4.000000000e+00;
	v4 =	vmax.f32 v4, $-4.000000000e+00;
	v7 =	vld.idx.msk [tilespmem:v6+s26+$0x0], $0xffff  }
0x150: {  	v11 =	vmul.f32 $1.442695020e+00, v1;
	v1 =	vmin.f32 v4, $4.000000000e+00;
	v4 =	vmax.f32 v5, $-4.000000000e+00;
	v5 =	vld [tilespmem:s16+$0x50]  }
0x151: {  	v12 =	vmul.f32 $1.442695020e+00, v1;
	v1 =	vmin.f32 v4, $4.000000000e+00;
	v4 =	vmax.f32 v8, $-4.000000000e+00;
	v8 =	vld [tilespmem:s16+$0xFFFFFFE0]  }
0x152: {  	v13 =	vmul.f32 $1.442695020e+00, v1;
	v1 =	vmin.f32 v4, $4.000000000e+00;
	v4 =	vmax.f32 v10, $-4.000000000e+00;
	v10 =	vld [tilespmem:s16+$0x60]  }
0x153: {  	v14 =	vld [tilespmem:s1+$0xFFFFFFD0];
	v15 =	vmul.f32 $1.442695020e+00, v1;
	v1 =	vmin.f32 v4, $4.000000000e+00;
	v4 =	vmax.f32 v9, $-4.000000000e+00  }
0x154: {  	v9 =	vld [tilespmem:s1+$0xFFFFFFE0];
	v16 =	vmul.f32 $1.442695020e+00, v1;
	v1 =	vmin.f32 v4, $4.000000000e+00;
	(erf) = vpow2.f32 v0;
	v0 =	vpop (erf)  }
0x155: {  	v4 =	vld [tilespmem:s1+$0xFFFFFFF0];
	v17 =	vmul.f32 $1.442695020e+00, v1;
	v20 =	vmax.f32 v5, $-4.000000000e+00;
	v5 =	vmul.f32 v0, v7  }
0x156: {  	s23 =	sadd.s32 $0x100, s23;
	v0 =	vmin.f32 v20, $4.000000000e+00;
	v19 =	vmax.f32 v8, $-4.000000000e+00;
	v7 =	vld [tilespmem:s16+$0xFFFFFFF0];
	v18 =	vpop (erf);
	(erf) = vpow2.f32 v3  }
0x157: {  	v3 =	vmul.f32 $1.442695020e+00, v0;
	v8 =	vmin.f32 v19, $4.000000000e+00;
	v10 =	vmax.f32 v10, $-4.000000000e+00;
	v0 =	vld.idx.msk [tilespmem:v6+s3+$0x0], $0xffff;
	[tilespmem:s23+$0x70] =	vst v5;
	v1 =	vpop (erf)  }
0x158: {  	v5 =	vld [tilespmem:s1+$0x0];
	v6 =	vmul.f32 $1.442695020e+00, v8;
	v8 =	vmin.f32 v10, $4.000000000e+00;
	(erf) = vpow2.f32 v2  }
0x159: {  	v10 =	vld [tilespmem:s1+$0x10];
	v2 =	vmul.f32 $1.442695020e+00, v8;
	(erf) = vpow2.f32 v11  }
0x15a: {  	v11 =	vld [tilespmem:s1+$0x20];
	(erf) = vpow2.f32 v12  }
0x15b: {  	v8 =	vld [tilespmem:s1+$0xFFFFFFC0];
	v7 =	vmax.f32 v7, $-4.000000000e+00;
	(erf) = vpow2.f32 v13  }
0x15c: {  	v12 =	vld.idx.msk [tilespmem:v14+s3+$0x0], $0xffff;
	v7 =	vmin.f32 v7, $4.000000000e+00;
	(erf) = vpow2.f32 v15  }
0x15d: {  	v13 =	vld.idx.msk [tilespmem:v14+s26+$0x0], $0xffff;
	v7 =	vmul.f32 $1.442695020e+00, v7;
	v14 =	vpop (erf);
	(erf) = vpow2.f32 v16  }
0x15e: {  	v15 =	vld.idx.msk [tilespmem:v9+s3+$0x0], $0xffff;
	(erf) = vpow2.f32 v17  }
0x15f: {  	v9 =	vld.idx.msk [tilespmem:v9+s26+$0x0], $0xffff;
	v16 =	vpop (erf);
	(erf) = vpow2.f32 v3  }
0x160: {  	v17 =	vld.idx.msk [tilespmem:v4+s3+$0x0], $0xffff;
	(erf) = vpow2.f32 v6  }
0x161: {  	v6 =	vld.idx.msk [tilespmem:v4+s26+$0x0], $0xffff;
	v3 =	vpop (erf);
	(erf) = vpow2.f32 v2  }
0x162: {  	v4 =	vmul.f32 v14, v12;
	v12 =	vld.idx.msk [tilespmem:v5+s3+$0x0], $0xffff;
	v14 =	vpop (erf);
	(erf) = vpow2.f32 v7  }
0x163: {  	v19 =	vmul.f32 v16, v13;
	v7 =	vld.idx.msk [tilespmem:v8+s3+$0x0], $0xffff;
	v16 =	vpop (erf)  }
0x164: {  	v2 =	vld.idx.msk [tilespmem:v8+s26+$0x0], $0xffff;
	[tilespmem:s23+$0xFFFFFF90] =	vst v4;
	v4 =	vmul.f32 v3, v15;
	v15 =	vpop (erf)  }
.Ltmp4:
0x165: {  	[tilespmem:s23+$0x10] =	vst v19;
	v19 =	vmul.f32 v14, v9;
	v3 =	vld.idx.msk [tilespmem:v5+s26+$0x0], $0xffff;
	v13 =	vpop (erf);
	(pc) =	sbr.rel @p4 .LBB2_6-.Ltmp4, $4  }
0x166: {  	v14 =	vmul.f32 v16, v17;
	[tilespmem:s23+$0xFFFFFFA0] =	vst v4;
	v4 =	vld.idx.msk [tilespmem:v10+s3+$0x0], $0xffff;
	v8 =	vpop (erf)  }
0x167: {  	v15 =	vmul.f32 v15, v6;
	[tilespmem:s23+$0x20] =	vst v19;
	v5 =	vld.idx.msk [tilespmem:v10+s26+$0x0], $0xffff;
	v9 =	vpop (erf)  }
0x168: {  	v13 =	vmul.f32 v13, v12;
	[tilespmem:s23+$0xFFFFFFB0] =	vst v14;
	v6 =	vld.idx.msk [tilespmem:v11+s3+$0x0], $0xffff;
	v10 =	vpop (erf)  }
0x169: {  	s16 =	sadd.s32 $0x100, s16;
	v12 =	vmul.f32 v18, v7;
	[tilespmem:s23+$0x30] =	vst v15;
	v7 =	vld.idx.msk [tilespmem:v11+s26+$0x0], $0xffff;
	v11 =	vpop (erf)  }
0x16a: {  	v1 =	vmul.f32 v1, v2;
	[tilespmem:s23+$0xFFFFFFC0] =	vst v13  }
0x16b: {  	v57 =	vmul.f32 v8, v3;
	[tilespmem:s23+$0xFFFFFF80] =	vst v12  }
0x16c: {  	v60 =	vpop (erf);
	v58 =	vmul.f32 v9, v4;
	[tilespmem:s23+$0x0] =	vst v1  }
0x16d: {  	v62 =	vpop (erf);
	[tilespmem:s23+$0x40] =	vst v57;
	v59 =	vmul.f32 v10, v5  }
0x16e: {  	v0 =	vmul.f32 v62, v0;
	[tilespmem:s23+$0xFFFFFFD0] =	vst v58  }
.Ltmp5:
0x16f: {  	v61 =	vmul.f32 v11, v6;
	[tilespmem:s23+$0x50] =	vst v59;
	(pc) =	sbr.rel @p3 .LBB2_11-.Ltmp5, $4  }
0x170: {  	v63 =	vmul.f32 v60, v7;
	[tilespmem:s23+$0xFFFFFFF0] =	vst v0  }
0x171: {  	[tilespmem:s23+$0xFFFFFFE0] =	vst v61  }
0x172: {  	[tilespmem:s23+$0x60] =	vst v63  }
0x173: {  	[hbm4b:s14+s3] =	stream.linear.scatter [tilespmem:s28], [sflag:$0x3], $0x4000, $0x38;
	[tilespmem:$0x14100] =	vst v63  }
0x174: {  	_ =	swait.ge [sflag:s29], $0x2000  }
0x175: {  	[sflag:s29] =	ssyncset.done $0x0  }
0x176: {  	[sflag:s29] =	ssyncadd.s32 $0xFFFFE000  }
0x177: {  	_ =	swait.ge [sflag:s29], $0x4000  }
0x178: {  	[sflag:s29] =	ssyncset.done $0x0  }
0x179: {  	[sflag:s29] =	ssyncadd.s32 $0xFFFFC000  }
0x17a: {  	_ =	swait.ge [sflag:s31], $0x4000  }
0x17b: {  	[sflag:s31] =	ssyncset.done $0x0  }
0x17c: {  	s15 =	simm.s32 $0x8180;
	[sflag:s31] =	ssyncadd.s32 $0xFFFFC000  }
0x17d: {  	v0 =	vld [tilespmem:s15+$0x70]  }
0x17e: {  	v1 =	vld [tilespmem:s15+$0xFFFFFF80]  }
0x17f: {  	v2 =	vld [tilespmem:s15+$0x0]  }
0x180: {  	v3 =	vld [tilespmem:s15+$0xFFFFFF90]  }
0x181: {  	v4 =	vld [tilespmem:s15+$0x10]  }
0x182: {  	v6 =	vld [tilespmem:s15+$0xFFFFFFA0]  }
0x183: {  	v7 =	vld [tilespmem:s15+$0x20];
	_ =	sdelay $0x1  }
0x184: {  	s1 =	simm.s32 $0x2140  }
0x185: {  	v5 =	vld [tilespmem:s1+$0x30];
	v0 =	vmax.f32 v0, $-4.000000000e+00;
	v1 =	vmax.f32 v1, $-4.000000000e+00  }
0x186: {  	v8 =	vld [tilespmem:s15+$0xFFFFFFB0];
	v2 =	vmax.f32 v2, $-4.000000000e+00;
	v3 =	vmax.f32 v3, $-4.000000000e+00;
	v4 =	vmax.f32 v4, $-4.000000000e+00  }
0x187: {  	v9 =	vld [tilespmem:s15+$0x30];
	v6 =	vmax.f32 v6, $-4.000000000e+00;
	v7 =	vmax.f32 v7, $-4.000000000e+00;
	v0 =	vmin.f32 v0, $4.000000000e+00  }
0x188: {  	v10 =	vld [tilespmem:s15+$0xFFFFFFC0];
	v1 =	vmin.f32 v1, $4.000000000e+00;
	v3 =	vmin.f32 v3, $4.000000000e+00;
	v0 =	vmul.f32 $1.442695020e+00, v0  }
0x189: {  	v11 =	vld [tilespmem:s15+$0x40];
	v2 =	vmin.f32 v2, $4.000000000e+00;
	v1 =	vmul.f32 $1.442695020e+00, v1;
	v3 =	vmul.f32 $1.442695020e+00, v3  }
0x18a: {  	v12 =	vld [tilespmem:s15+$0xFFFFFFD0];
	v4 =	vmin.f32 v4, $4.000000000e+00;
	(erf) = vpow2.f32 v0;
	v0 =	vmul.f32 $1.442695020e+00, v2  }
0x18b: {  	v14 =	vld [tilespmem:s15+$0xFFFFFFE0];
	v7 =	vmin.f32 v7, $4.000000000e+00;
	v4 =	vmul.f32 $1.442695020e+00, v4;
	(erf) = vpow2.f32 v1  }
0x18c: {  	v2 =	vld [tilespmem:s15+$0x50];
	v1 =	vmin.f32 v6, $4.000000000e+00;
	(erf) = vpow2.f32 v0;
	v0 =	vmax.f32 v8, $-4.000000000e+00  }
0x18d: {  	v7 =	vmul.f32 $1.442695020e+00, v7;
	v8 =	vld [tilespmem:s1+$0xFFFFFFD0];
	v1 =	vmul.f32 $1.442695020e+00, v1;
	v0 =	vmin.f32 v0, $4.000000000e+00  }
0x18e: {  	v15 =	vld [tilespmem:s1+$0xFFFFFFE0];
	v9 =	vmax.f32 v9, $-4.000000000e+00;
	(erf) = vpow2.f32 v3;
	v16 =	vmul.f32 $1.442695020e+00, v0  }
0x18f: {  	v17 =	vld [tilespmem:s1+$0xFFFFFFF0];
	v0 =	vmin.f32 v9, $4.000000000e+00;
	v9 =	vmax.f32 v10, $-4.000000000e+00;
	(erf) = vpow2.f32 v4  }
0x190: {  	v13 =	vld.idx.msk [tilespmem:v5+s26+$0x0], $0xffff;
	v4 =	vmax.f32 v11, $-4.000000000e+00;
	v10 =	vmul.f32 $1.442695020e+00, v0;
	v9 =	vmin.f32 v9, $4.000000000e+00  }
0x191: {  	v6 =	vld [tilespmem:s15+$0x60];
	(erf) = vpow2.f32 v1;
	v1 =	vmin.f32 v4, $4.000000000e+00;
	v4 =	vmax.f32 v12, $-4.000000000e+00  }
0x192: {  	v0 =	vld.idx.msk [tilespmem:v5+s3+$0x0], $0xffff;
	v2 =	vmax.f32 v2, $-4.000000000e+00;
	v5 =	vmul.f32 $1.442695020e+00, v9;
	(erf) = vpow2.f32 v7  }
0x193: {  	v3 =	vld [tilespmem:s15+$0xFFFFFFF0];
	v1 =	vmul.f32 $1.442695020e+00, v1;
	v4 =	vmin.f32 v4, $4.000000000e+00;
	(erf) = vpow2.f32 v16  }
0x194: {  	v12 =	vld [tilespmem:s1+$0xFFFFFFC0];
	v2 =	vmin.f32 v2, $4.000000000e+00;
	v4 =	vmul.f32 $1.442695020e+00, v4;
	(erf) = vpow2.f32 v10  }
0x195: {  	v14 =	vmax.f32 v14, $-4.000000000e+00;
	v2 =	vmul.f32 $1.442695020e+00, v2;
	v10 =	vpop (erf);
	(erf) = vpow2.f32 v5;
	v60 =	vld.idx.msk [tilespmem:v8+s3+$0x0], $0xffff  }
0x196: {  	v5 =	vmin.f32 v14, $4.000000000e+00;
	v18 =	vpop (erf);
	v8 =	vld.idx.msk [tilespmem:v8+s26+$0x0], $0xffff;
	(erf) = vpow2.f32 v1  }
0x197: {  	v9 =	vld [tilespmem:s1+$0x0];
	v5 =	vmul.f32 $1.442695020e+00, v5;
	v1 =	vpop (erf);
	(erf) = vpow2.f32 v4  }
0x198: {  	v14 =	vld.idx.msk [tilespmem:v15+s3+$0x0], $0xffff;
	v4 =	vpop (erf);
	(erf) = vpow2.f32 v2  }
0x199: {  	v15 =	vld.idx.msk [tilespmem:v15+s26+$0x0], $0xffff;
	v2 =	vpop (erf);
	(erf) = vpow2.f32 v5;
	v5 =	vmul.f32 v10, v13  }
0x19a: {  	s23 =	simm.s32 $0x10180;
	v19 =	vld.idx.msk [tilespmem:v17+s3+$0x0], $0xffff;
	v4 =	vmul.f32 v4, v60  }
0x19b: {  	v11 =	vld [tilespmem:s1+$0x10];
	v6 =	vmax.f32 v6, $-4.000000000e+00;
	v13 =	vpop (erf);
	[tilespmem:s23+$0x70] =	vst v5;
	v5 =	vmul.f32 v2, v8  }
0x19c: {  	v7 =	vld [tilespmem:s1+$0x20];
	v3 =	vmax.f32 v3, $-4.000000000e+00;
	v62 =	vpop (erf);
	[tilespmem:s23+$0xFFFFFF90] =	vst v4;
	v4 =	vmin.f32 v6, $4.000000000e+00  }
0x19d: {  	v20 =	vld.idx.msk [tilespmem:v12+s3+$0x0], $0xffff;
	v8 =	vpop (erf);
	v6 =	vmul.f32 v13, v14;
	[tilespmem:s23+$0x10] =	vst v5;
	v5 =	vmul.f32 $1.442695020e+00, v4;
	v4 =	vmin.f32 v3, $4.000000000e+00  }
0x19e: {  	v2 =	vld.idx.msk [tilespmem:v12+s26+$0x0], $0xffff;
	v12 =	vpop (erf);
	v13 =	vmul.f32 v62, v15;
	v15 =	vmul.f32 $1.442695020e+00, v4  }
0x19f: {  	v14 =	vpop (erf);
	(erf) = vpow2.f32 v5  }
0x1a0: {  	v10 =	vld.idx.msk [tilespmem:v17+s26+$0x0], $0xffff;
	[tilespmem:s23+$0xFFFFFFA0] =	vst v6;
	v6 =	vmul.f32 v8, v19;
	v8 =	vpop (erf);
	(erf) = vpow2.f32 v15  }
0x1a1: {  	v61 =	vld.idx.msk [tilespmem:v9+s3+$0x0], $0xffff;
	_ =	sdelay $0x1  }
0x1a2: {  	v3 =	vld.idx.msk [tilespmem:v9+s26+$0x0], $0xffff  }
0x1a3: {  	v4 =	vld.idx.msk [tilespmem:v11+s3+$0x0], $0xffff  }
0x1a4: {  	v63 =	vmul.f32 v12, v10;
	[tilespmem:s23+$0x20] =	vst v13;
	v5 =	vld.idx.msk [tilespmem:v11+s26+$0x0], $0xffff;
	v9 =	vpop (erf)  }
0x1a5: {  	v13 =	vmul.f32 v14, v61;
	[tilespmem:s23+$0xFFFFFFB0] =	vst v6;
	v6 =	vld.idx.msk [tilespmem:v7+s3+$0x0], $0xffff;
	v10 =	vpop (erf)  }
0x1a6: {  	s16 =	simm.s32 $0x8280;
	s15 =	simm.s32 $0x0;
	v12 =	vmul.f32 v18, v20;
	[tilespmem:s23+$0x30] =	vst v63;
	v7 =	vld.idx.msk [tilespmem:v7+s26+$0x0], $0xffff;
	v11 =	vpop (erf)  }
.LBB2_9:
0x1a7: {  	v14 =	vld [tilespmem:s16+$0x70];
	s15 =	sadd.s32 $0x80, s15;
	v1 =	vmul.f32 v1, v2;
	[tilespmem:s23+$0xFFFFFFC0] =	vst v13;
	v2 =	vpop (erf)  }
0x1a8: {  	v3 =	vmul.f32 v8, v3;
	v13 =	vld [tilespmem:s16+$0xFFFFFF80];
	p4 =	slt.u32 s15, $0x1F80;
	[tilespmem:s23+$0xFFFFFF80] =	vst v12;
	v8 =	vpop (erf)  }
0x1a9: {  	v12 =	vld [tilespmem:s16+$0x0];
	[tilespmem:s23+$0x0] =	vst v1;
	v1 =	vmul.f32 v9, v4;
	v0 =	vmul.f32 v8, v0  }
0x1aa: {  	v4 =	vld [tilespmem:s16+$0xFFFFFF90];
	[tilespmem:s23+$0x40] =	vst v3;
	v3 =	vmul.f32 v10, v5  }
0x1ab: {  	s1 =	sadd.s32 $0x80, s1;
	v5 =	vld [tilespmem:s16+$0x10];
	[tilespmem:s23+$0xFFFFFFD0] =	vst v1;
	v1 =	vmul.f32 v11, v6  }
0x1ac: {  	v2 =	vmul.f32 v2, v7;
	v6 =	vld [tilespmem:s1+$0x30];
	v8 =	vmax.f32 v14, $-4.000000000e+00;
	[tilespmem:s23+$0x50] =	vst v3  }
0x1ad: {  	v3 =	vmax.f32 v13, $-4.000000000e+00;
	v7 =	vld [tilespmem:s16+$0xFFFFFFA0];
	v8 =	vmin.f32 v8, $4.000000000e+00;
	[tilespmem:s23+$0xFFFFFFE0] =	vst v1  }
0x1ae: {  	v1 =	vmin.f32 v3, $4.000000000e+00;
	v3 =	vmax.f32 v12, $-4.000000000e+00;
	v9 =	vld [tilespmem:s16+$0x20];
	v8 =	vmul.f32 $1.442695020e+00, v8;
	[tilespmem:s23+$0x60] =	vst v2  }
0x1af: {  	v1 =	vmul.f32 $1.442695020e+00, v1;
	v2 =	vmin.f32 v3, $4.000000000e+00;
	v3 =	vmax.f32 v4, $-4.000000000e+00;
	v4 =	vld [tilespmem:s16+$0xFFFFFFB0];
	[tilespmem:s23+$0xFFFFFFF0] =	vst v0  }
0x1b0: {  	v0 =	vmin.f32 v3, $4.000000000e+00;
	v3 =	vmax.f32 v5, $-4.000000000e+00;
	v5 =	vld [tilespmem:s16+$0x30];
	(erf) = vpow2.f32 v8  }
0x1b1: {  	v2 =	vmul.f32 $1.442695020e+00, v2;
	v0 =	vmul.f32 $1.442695020e+00, v0;
	v3 =	vmin.f32 v3, $4.000000000e+00;
	v8 =	vld [tilespmem:s16+$0xFFFFFFC0]  }
0x1b2: {  	v3 =	vmul.f32 $1.442695020e+00, v3;
	v7 =	vmax.f32 v7, $-4.000000000e+00;
	v10 =	vld [tilespmem:s16+$0x40];
	(erf) = vpow2.f32 v1  }
0x1b3: {  	v1 =	vmin.f32 v7, $4.000000000e+00;
	v7 =	vmax.f32 v9, $-4.000000000e+00;
	v9 =	vld [tilespmem:s16+$0xFFFFFFD0];
	(erf) = vpow2.f32 v2  }
0x1b4: {  	v2 =	vmul.f32 $1.442695020e+00, v1;
	v1 =	vmin.f32 v7, $4.000000000e+00;
	v4 =	vmax.f32 v4, $-4.000000000e+00;
	v7 =	vld.idx.msk [tilespmem:v6+s26+$0x0], $0xffff  }
0x1b5: {  	v11 =	vmul.f32 $1.442695020e+00, v1;
	v1 =	vmin.f32 v4, $4.000000000e+00;
	v4 =	vmax.f32 v5, $-4.000000000e+00;
	v5 =	vld [tilespmem:s16+$0x50]  }
0x1b6: {  	v12 =	vmul.f32 $1.442695020e+00, v1;
	v1 =	vmin.f32 v4, $4.000000000e+00;
	v4 =	vmax.f32 v8, $-4.000000000e+00;
	v8 =	vld [tilespmem:s16+$0xFFFFFFE0]  }
0x1b7: {  	v13 =	vmul.f32 $1.442695020e+00, v1;
	v1 =	vmin.f32 v4, $4.000000000e+00;
	v4 =	vmax.f32 v10, $-4.000000000e+00;
	v10 =	vld [tilespmem:s16+$0x60]  }
0x1b8: {  	v14 =	vld [tilespmem:s1+$0xFFFFFFD0];
	v15 =	vmul.f32 $1.442695020e+00, v1;
	v1 =	vmin.f32 v4, $4.000000000e+00;
	v4 =	vmax.f32 v9, $-4.000000000e+00  }
0x1b9: {  	v9 =	vld [tilespmem:s1+$0xFFFFFFE0];
	v16 =	vmul.f32 $1.442695020e+00, v1;
	v1 =	vmin.f32 v4, $4.000000000e+00;
	(erf) = vpow2.f32 v0;
	v0 =	vpop (erf)  }
0x1ba: {  	v4 =	vld [tilespmem:s1+$0xFFFFFFF0];
	v17 =	vmul.f32 $1.442695020e+00, v1;
	v20 =	vmax.f32 v5, $-4.000000000e+00;
	v5 =	vmul.f32 v0, v7  }
0x1bb: {  	s23 =	sadd.s32 $0x100, s23;
	v0 =	vmin.f32 v20, $4.000000000e+00;
	v19 =	vmax.f32 v8, $-4.000000000e+00;
	v7 =	vld [tilespmem:s16+$0xFFFFFFF0];
	v18 =	vpop (erf);
	(erf) = vpow2.f32 v3  }
0x1bc: {  	v3 =	vmul.f32 $1.442695020e+00, v0;
	v8 =	vmin.f32 v19, $4.000000000e+00;
	v10 =	vmax.f32 v10, $-4.000000000e+00;
	v0 =	vld.idx.msk [tilespmem:v6+s3+$0x0], $0xffff;
	[tilespmem:s23+$0x70] =	vst v5;
	v1 =	vpop (erf)  }
0x1bd: {  	v5 =	vld [tilespmem:s1+$0x0];
	v6 =	vmul.f32 $1.442695020e+00, v8;
	v8 =	vmin.f32 v10, $4.000000000e+00;
	(erf) = vpow2.f32 v2  }
0x1be: {  	v10 =	vld [tilespmem:s1+$0x10];
	v2 =	vmul.f32 $1.442695020e+00, v8;
	(erf) = vpow2.f32 v11  }
0x1bf: {  	v11 =	vld [tilespmem:s1+$0x20];
	(erf) = vpow2.f32 v12  }
0x1c0: {  	v8 =	vld [tilespmem:s1+$0xFFFFFFC0];
	v7 =	vmax.f32 v7, $-4.000000000e+00;
	(erf) = vpow2.f32 v13  }
0x1c1: {  	v12 =	vld.idx.msk [tilespmem:v14+s3+$0x0], $0xffff;
	v7 =	vmin.f32 v7, $4.000000000e+00;
	(erf) = vpow2.f32 v15  }
0x1c2: {  	v13 =	vld.idx.msk [tilespmem:v14+s26+$0x0], $0xffff;
	v7 =	vmul.f32 $1.442695020e+00, v7;
	v14 =	vpop (erf);
	(erf) = vpow2.f32 v16  }
0x1c3: {  	v15 =	vld.idx.msk [tilespmem:v9+s3+$0x0], $0xffff;
	(erf) = vpow2.f32 v17  }
0x1c4: {  	v9 =	vld.idx.msk [tilespmem:v9+s26+$0x0], $0xffff;
	v16 =	vpop (erf);
	(erf) = vpow2.f32 v3  }
0x1c5: {  	v17 =	vld.idx.msk [tilespmem:v4+s3+$0x0], $0xffff;
	(erf) = vpow2.f32 v6  }
0x1c6: {  	v6 =	vld.idx.msk [tilespmem:v4+s26+$0x0], $0xffff;
	v3 =	vpop (erf);
	(erf) = vpow2.f32 v2  }
0x1c7: {  	v4 =	vmul.f32 v14, v12;
	v12 =	vld.idx.msk [tilespmem:v5+s3+$0x0], $0xffff;
	v14 =	vpop (erf);
	(erf) = vpow2.f32 v7  }
0x1c8: {  	v19 =	vmul.f32 v16, v13;
	v7 =	vld.idx.msk [tilespmem:v8+s3+$0x0], $0xffff;
	v16 =	vpop (erf)  }
0x1c9: {  	v2 =	vld.idx.msk [tilespmem:v8+s26+$0x0], $0xffff;
	[tilespmem:s23+$0xFFFFFF90] =	vst v4;
	v4 =	vmul.f32 v3, v15;
	v15 =	vpop (erf)  }
.Ltmp6:
0x1ca: {  	[tilespmem:s23+$0x10] =	vst v19;
	v19 =	vmul.f32 v14, v9;
	v3 =	vld.idx.msk [tilespmem:v5+s26+$0x0], $0xffff;
	v13 =	vpop (erf);
	(pc) =	sbr.rel @p4 .LBB2_9-.Ltmp6, $4  }
0x1cb: {  	v14 =	vmul.f32 v16, v17;
	[tilespmem:s23+$0xFFFFFFA0] =	vst v4;
	v4 =	vld.idx.msk [tilespmem:v10+s3+$0x0], $0xffff;
	v8 =	vpop (erf)  }
0x1cc: {  	v15 =	vmul.f32 v15, v6;
	[tilespmem:s23+$0x20] =	vst v19;
	v5 =	vld.idx.msk [tilespmem:v10+s26+$0x0], $0xffff;
	v9 =	vpop (erf)  }
0x1cd: {  	v13 =	vmul.f32 v13, v12;
	[tilespmem:s23+$0xFFFFFFB0] =	vst v14;
	v6 =	vld.idx.msk [tilespmem:v11+s3+$0x0], $0xffff;
	v10 =	vpop (erf)  }
0x1ce: {  	s16 =	sadd.s32 $0x100, s16;
	v12 =	vmul.f32 v18, v7;
	[tilespmem:s23+$0x30] =	vst v15;
	v7 =	vld.idx.msk [tilespmem:v11+s26+$0x0], $0xffff;
	v11 =	vpop (erf)  }
0x1cf: {  	v1 =	vmul.f32 v1, v2;
	[tilespmem:s23+$0xFFFFFFC0] =	vst v13  }
0x1d0: {  	v57 =	vmul.f32 v8, v3;
	[tilespmem:s23+$0xFFFFFF80] =	vst v12  }
0x1d1: {  	v60 =	vpop (erf);
	v58 =	vmul.f32 v9, v4;
	[tilespmem:s23+$0x0] =	vst v1  }
0x1d2: {  	v62 =	vpop (erf);
	[tilespmem:s23+$0x40] =	vst v57;
	v59 =	vmul.f32 v10, v5  }
0x1d3: {  	v0 =	vmul.f32 v62, v0;
	[tilespmem:s23+$0xFFFFFFD0] =	vst v58  }
0x1d4: {  	v61 =	vmul.f32 v11, v6;
	[tilespmem:s23+$0x50] =	vst v59  }
0x1d5: {  	v63 =	vmul.f32 v60, v7;
	[tilespmem:s23+$0xFFFFFFF0] =	vst v0  }
0x1d6: {  	[tilespmem:s23+$0xFFFFFFE0] =	vst v61  }
0x1d7: {  	[tilespmem:s23+$0x60] =	vst v63  }
0x1d8: {  	s1 =	rddreg [dreg:$0x5]  }
0x1d9: {  	[hbm4b:s1+s3] =	stream.linear.scatter [tilespmem:s30], [sflag:$0x4], $0x4000, $0x38;
	[tilespmem:$0x14100] =	vst v63  }
.LBB2_11:
.Ltmp7:
0x1da: {  	(pc) =	sbr.rel @p1 .LBB2_13-.Ltmp7, $1  }
0x1db: {  	_ =	sdelay $0x3  }
.Ltmp8:
0x1dc: {  	(pc) =	sbr.rel .LBB2_14-.Ltmp8, $4  }
0x1dd: {  	_ = 	snop  }
0x1de: {  	_ =	swait.ge [sflag:s31], $0x4000  }
0x1df: {  	[sflag:s31] =	ssyncset.done $0x0  }
0x1e0: {  	s1 =	simm.s32 $0x3;
	[sflag:s31] =	ssyncadd.s32 $0xFFFFC000  }
.LBB2_13:
.Ltmp9:
0x1e1: {  	(pc) =	sbr.rel @p2 .LBB2_15-.Ltmp9, $4  }
0x1e2: {  	_ = 	snop  }
0x1e3: {  	_ =	swait.ge [sflag:s22], $0x4000  }
0x1e4: {  	[sflag:s22] =	ssyncset.done $0x0  }
0x1e5: {  	s1 =	simm.s32 $0x4;
	[sflag:s22] =	ssyncadd.s32 $0xFFFFC000  }
.LBB2_14:
0x1e6: {  	_ =	swait.ge [sflag:s1], $0x4000  }
0x1e7: {  	[sflag:s1] =	ssyncset.done $0x0  }
0x1e8: {  	[sflag:s1] =	ssyncadd.s32 $0xFFFFC000  }
.LBB2_15:
.Ltmp10:
0x1e9: {  	(pc) =	sbr.rel @p0 .LBB2_19-.Ltmp10, $1  }
0x1ea: {  	_ =	sdelay $0x3  }
0x1eb: {  	s1 =	rddreg [dreg:$0x6]  }
0x1ec: {  	[tilespmem:s20], [sflag:$0x5] =	stream.linear.gather [hbm4b:s1+s3], $0x240, $0x38;
	[tilespmem:$0x14100] =	vst v63  }
0x1ed: {  	_ =	swait.ge [sflag:s0], $0x240  }
0x1ee: {  	[sflag:s0] =	ssyncset.done $0x0  }
0x1ef: {  	s16 =	rddreg [dreg:$0x7];
	[sflag:s0] =	ssyncadd.s32 $0xFFFFFDC0  }
0x1f0: {  	[tilespmem:s21], [sflag:$0x5] =	stream.linear.gather [hbm4b:s16+s3], $0x500, $0x38;
	[tilespmem:$0x14100] =	vst v63  }
0x1f1: {  	_ =	swait.ge [sflag:s0], $0x500  }
0x1f2: {  	[sflag:s0] =	ssyncset.done $0x0  }
0x1f3: {  	s15 =	simm.s32 $0x4180;
	[sflag:s0] =	ssyncadd.s32 $0xFFFFFB00  }
0x1f4: {  	s23 =	simm.s32 $0x140;
	v0 =	vld [tilespmem:s15+$0x70]  }
0x1f5: {  	v1 =	vld [tilespmem:s23+$0x30]  }
0x1f6: {  	v2 =	vld [tilespmem:s15+$0xFFFFFF80]  }
0x1f7: {  	v3 =	vld [tilespmem:s15+$0x0]  }
0x1f8: {  	v4 =	vld [tilespmem:s15+$0xFFFFFF90]  }
0x1f9: {  	v6 =	vld [tilespmem:s15+$0xFFFFFFA0]  }
0x1fa: {  	v7 =	vld [tilespmem:s15+$0x20]  }
0x1fb: {  	v8 =	vld [tilespmem:s15+$0xFFFFFFB0]  }
0x1fc: {  	v9 =	vld [tilespmem:s15+$0x30]  }
0x1fd: {  	v10 =	vld [tilespmem:s15+$0x40]  }
0x1fe: {  	v11 =	vld [tilespmem:s15+$0xFFFFFFD0]  }
0x1ff: {  	v12 =	vld [tilespmem:s15+$0x50]  }
0x200: {  	v13 =	vld [tilespmem:s23+$0xFFFFFFC0]  }
0x201: {  	v15 =	vld [tilespmem:s23+$0xFFFFFFE0]  }
0x202: {  	v16 =	vld [tilespmem:s23+$0x0]  }
0x203: {  	s1 =	simm.s32 $0x1C0;
	v18 =	vld [tilespmem:s23+$0x10]  }
0x204: {  	s17 =	smov.u32 s24;
	s24 =	simm.s32 $0x4280;
	v24 =	vld [tilespmem:s1+$0x30]  }
0x205: {  	v29 =	vld [tilespmem:s24+$0x10]  }
0x206: {  	v31 =	vld [tilespmem:s24+$0xFFFFFFA0]  }
0x207: {  	v33 =	vld [tilespmem:s24+$0xFFFFFFD0]  }
0x208: {  	v35 =	vld [tilespmem:s24+$0x50]  }
0x209: {  	v36 =	vld [tilespmem:s24+$0xFFFFFFE0];
	v0 =	vmax.f32 v0, $-4.000000000e+00  }
0x20a: {  	v37 =	vld [tilespmem:s24+$0x60];
	vm0 =	vgt.s32 v1, $0x0;
	v2 =	vmax.f32 v2, $-4.000000000e+00;
	v3 =	vmax.f32 v3, $-4.000000000e+00  }
0x20b: {  	v38 =	vld [tilespmem:s1+$0xFFFFFFD0];
	v4 =	vmax.f32 v4, $-4.000000000e+00;
	v6 =	vmax.f32 v6, $-4.000000000e+00;
	v7 =	vmax.f32 v7, $-4.000000000e+00  }
0x20c: {  	v55 =	vld [tilespmem:s1+$0xFFFFFFE0];
	v8 =	vmax.f32 v8, $-4.000000000e+00;
	v9 =	vmax.f32 v9, $-4.000000000e+00;
	v10 =	vmax.f32 v10, $-4.000000000e+00  }
0x20d: {  	v11 =	vmax.f32 v11, $-4.000000000e+00;
	v12 =	vmax.f32 v12, $-4.000000000e+00;
	vm14 =	vgt.s32 v13, $0x0  }
0x20e: {  	vm4 =	vgt.s32 v15, $0x0;
	vm5 =	vgt.s32 v16, $0x0;
	vm6 =	vgt.s32 v18, $0x0  }
0x20f: {  	vm8 =	vgt.s32 v24, $0x0;
	v29 =	vmax.f32 v29, $-4.000000000e+00;
	v31 =	vmax.f32 v31, $-4.000000000e+00  }
0x210: {  	v33 =	vmax.f32 v33, $-4.000000000e+00;
	v35 =	vmax.f32 v35, $-4.000000000e+00;
	v57 =	vmax.f32 v36, $-4.000000000e+00  }
0x211: {  	v58 =	vmax.f32 v37, $-4.000000000e+00;
	vm9 =	vgt.s32 v38, $0x0;
	vm10 =	vgt.s32 v55, $0x0  }
0x212: {  	v5 =	vld [tilespmem:s15+$0x10];
	v0 =	vmin.f32 v0, $4.000000000e+00;
	v1 =	vnsel vm0, $0x0, v1;
	v2 =	vmin.f32 v2, $4.000000000e+00  }
0x213: {  	v3 =	vmin.f32 v3, $4.000000000e+00;
	v6 =	vmin.f32 v6, $4.000000000e+00;
	v7 =	vmin.f32 v7, $4.000000000e+00  }
0x214: {  	v8 =	vmin.f32 v8, $4.000000000e+00;
	v0 =	vmul.f32 $1.442695020e+00, v0;
	v3 =	vmul.f32 $1.442695020e+00, v3  }
0x215: {  	v9 =	vmin.f32 v9, $4.000000000e+00;
	v6 =	vmul.f32 $1.442695020e+00, v6;
	v7 =	vmul.f32 $1.442695020e+00, v7  }
0x216: {  	v10 =	vmin.f32 v10, $4.000000000e+00;
	(erf) = vpow2.f32 v0;
	v0 =	vmul.f32 $1.442695020e+00, v2  }
0x217: {  	v8 =	vmul.f32 $1.442695020e+00, v8;
	v2 =	vmin.f32 v4, $4.000000000e+00;
	v4 =	vmax.f32 v5, $-4.000000000e+00;
	v5 =	vld [tilespmem:s15+$0xFFFFFFC0]  }
0x218: {  	v4 =	vmin.f32 v4, $4.000000000e+00;
	v2 =	vmul.f32 $1.442695020e+00, v2;
	(erf) = vpow2.f32 v0  }
0x219: {  	v14 =	vld [tilespmem:s15+$0xFFFFFFE0];
	v11 =	vmin.f32 v11, $4.000000000e+00;
	v4 =	vmul.f32 $1.442695020e+00, v4;
	(erf) = vpow2.f32 v3  }
0x21a: {  	v1 =	vmin.u32 v1, $0x56;
	v9 =	vmul.f32 $1.442695020e+00, v9;
	(erf) = vpow2.f32 v2  }
0x21b: {  	v25 =	vnsel vm6, $0x0, v18;
	v10 =	vmul.f32 $1.442695020e+00, v10;
	(erf) = vpow2.f32 v4  }
0x21c: {  	v11 =	vmul.f32 $1.442695020e+00, v11;
	v2 =	vld [tilespmem:s15+$0x60];
	v5 =	vmax.f32 v5, $-4.000000000e+00;
	(erf) = vpow2.f32 v6  }
0x21d: {  	v4 =	vmin.f32 v12, $4.000000000e+00;
	v12 =	vld [tilespmem:s15+$0xFFFFFFF0];
	v5 =	vmin.f32 v5, $4.000000000e+00;
	(erf) = vpow2.f32 v7  }
0x21e: {  	v3 =	vld [tilespmem:s23+$0xFFFFFFD0];
	v6 =	vmax.f32 v14, $-4.000000000e+00;
	v5 =	vmul.f32 $1.442695020e+00, v5;
	(erf) = vpow2.f32 v8  }
0x21f: {  	v0 =	vld.idx.msk [tilespmem:v1+s26+$0x0], $0xffff;
	v4 =	vmul.f32 $1.442695020e+00, v4;
	v7 =	vnsel vm14, $0x0, v13;
	(erf) = vpow2.f32 v9  }
0x220: {  	v14 =	vld.idx.msk [tilespmem:v1+s3+$0x0], $0xffff;
	v6 =	vmin.f32 v6, $4.000000000e+00;
	v8 =	vmin.u32 v7, $0x56;
	v1 =	vpop (erf);
	(erf) = vpow2.f32 v5  }
0x221: {  	v2 =	vmax.f32 v2, $-4.000000000e+00;
	v5 =	vmul.f32 $1.442695020e+00, v6;
	v20 =	vpop (erf);
	(erf) = vpow2.f32 v10  }
0x222: {  	v2 =	vmin.f32 v2, $4.000000000e+00;
	v6 =	vmax.f32 v12, $-4.000000000e+00;
	v12 =	vpop (erf);
	(erf) = vpow2.f32 v11  }
0x223: {  	v13 =	vld [tilespmem:s23+$0xFFFFFFF0];
	vm15 =	vgt.s32 v3, $0x0;
	v2 =	vmul.f32 $1.442695020e+00, v2;
	v11 =	vpop (erf);
	(erf) = vpow2.f32 v4  }
0x224: {  	v3 =	vnsel vm15, $0x0, v3;
	v6 =	vmin.f32 v6, $4.000000000e+00;
	v7 =	vpop (erf);
	(erf) = vpow2.f32 v5  }
0x225: {  	v3 =	vmin.u32 v3, $0x56;
	v4 =	vmul.f32 $1.442695020e+00, v6;
	v5 =	vpop (erf);
	(erf) = vpow2.f32 v2;
	v2 =	vld [tilespmem:s24+$0x70]  }
0x226: {  	v24 =	vnsel vm8, $0x0, v24;
	v29 =	vmin.f32 v29, $4.000000000e+00;
	v31 =	vmin.f32 v31, $4.000000000e+00  }
0x227: {  	v33 =	vmin.f32 v33, $4.000000000e+00;
	v56 =	vmin.f32 v35, $4.000000000e+00;
	v10 =	vld [tilespmem:s23+$0x20];
	v6 =	vpop (erf);
	(erf) = vpow2.f32 v4  }
0x228: {  	v35 =	vmin.f32 v57, $4.000000000e+00;
	v36 =	vmin.f32 v58, $4.000000000e+00;
	vm1 =	vgt.s32 v13, $0x0;
	v21 =	vld.idx.msk [tilespmem:v8+s3+$0x0], $0xffff;
	v9 =	vpop (erf)  }
0x229: {  	v59 =	vnsel vm9, $0x0, v38;
	v22 =	vld.idx.msk [tilespmem:v8+s26+$0x0], $0xffff;
	v4 =	vmul.f32 v1, v0;
	v1 =	vnsel vm1, $0x0, v13;
	v13 =	vpop (erf)  }
0x22a: {  	v25 =	vmin.u32 v25, $0x56;
	v23 =	vld.idx.msk [tilespmem:v3+s3+$0x0], $0xffff;
	v0 =	vnsel vm4, $0x0, v15;
	v17 =	vpop (erf);
	v2 =	vmax.f32 v2, $-4.000000000e+00  }
0x22b: {  	v24 =	vmin.u32 v24, $0x56;
	v15 =	vld [tilespmem:s24+$0xFFFFFF80];
	v28 =	vmin.u32 v1, $0x56;
	v18 =	vpop (erf);
	v1 =	vmin.f32 v2, $4.000000000e+00  }
0x22c: {  	v29 =	vmul.f32 $1.442695020e+00, v29;
	v31 =	vmul.f32 $1.442695020e+00, v31;
	v8 =	vnsel vm5, $0x0, v16;
	v16 =	vld [tilespmem:s24+$0x0];
	v19 =	vpop (erf)  }
0x22d: {  	v26 =	vld [tilespmem:s24+$0xFFFFFF90];
	v35 =	vmul.f32 $1.442695020e+00, v35;
	vm7 =	vgt.s32 v10, $0x0;
	v27 =	vmin.u32 v0, $0x56;
	v0 =	vpop (erf)  }
0x22e: {  	v40 =	vld [tilespmem:s24+$0xFFFFFFF0];
	v30 =	vmin.u32 v8, $0x56;
	v10 =	vnsel vm7, $0x0, v10;
	v32 =	vmul.f32 $1.442695020e+00, v1;
	v1 =	vpop (erf)  }
0x22f: {  	v60 =	vld.idx.msk [tilespmem:v3+s26+$0x0], $0xffff;
	v8 =	vmin.u32 v10, $0x56;
	v20 =	vmul.f32 v20, v21;
	v12 =	vmul.f32 v12, v22;
	v2 =	vpop (erf)  }
0x230: {  	v10 =	vld [tilespmem:s24+$0x20];
	v54 =	vmul.f32 v11, v23;
	v11 =	vmax.f32 v15, $-4.000000000e+00;
	(erf) = vpow2.f32 v32;
	v22 =	vpop (erf)  }
0x231: {  	v62 =	vld.idx.msk [tilespmem:v25+s3+$0x0], $0xffff;
	v11 =	vmin.f32 v11, $4.000000000e+00;
	v23 =	vmul.f32 v22, v14;
	v14 =	vmax.f32 v16, $-4.000000000e+00  }
0x232: {  	v21 =	vld [tilespmem:s24+$0xFFFFFFB0];
	v11 =	vmul.f32 $1.442695020e+00, v11;
	v22 =	vmax.f32 v26, $-4.000000000e+00;
	v14 =	vmin.f32 v14, $4.000000000e+00  }
0x233: {  	v36 =	vmul.f32 $1.442695020e+00, v36;
	v15 =	vld [tilespmem:s24+$0x30];
	v22 =	vmin.f32 v22, $4.000000000e+00;
	v14 =	vmul.f32 $1.442695020e+00, v14  }
0x234: {  	v34 =	vld.idx.msk [tilespmem:v24+s26+$0x0], $0xffff;
	v3 =	vmax.f32 v40, $-4.000000000e+00;
	(erf) = vpow2.f32 v11;
	v22 =	vmul.f32 $1.442695020e+00, v22  }
0x235: {  	v7 =	vmul.f32 v7, v60;
	v10 =	vmax.f32 v10, $-4.000000000e+00;
	v16 =	vld [tilespmem:s24+$0xFFFFFFC0];
	(erf) = vpow2.f32 v14  }
0x236: {  	v19 =	vmul.f32 v19, v62;
	v10 =	vmin.f32 v10, $4.000000000e+00;
	v26 =	vld [tilespmem:s24+$0x40];
	(erf) = vpow2.f32 v22  }
0x237: {  	v41 =	vld.idx.msk [tilespmem:v27+s3+$0x0], $0xffff;
	v21 =	vmax.f32 v21, $-4.000000000e+00;
	v10 =	vmul.f32 $1.442695020e+00, v10;
	(erf) = vpow2.f32 v29  }
0x238: {  	v21 =	vmin.f32 v21, $4.000000000e+00;
	v15 =	vmax.f32 v15, $-4.000000000e+00;
	v22 =	vld [tilespmem:s1+$0x0];
	(erf) = vpow2.f32 v31  }
0x239: {  	v21 =	vmul.f32 $1.442695020e+00, v21;
	v15 =	vmin.f32 v15, $4.000000000e+00;
	v39 =	vpop (erf);
	(erf) = vpow2.f32 v10;
	v10 =	vld [tilespmem:s1+$0xFFFFFFC0]  }
0x23a: {  	v15 =	vmul.f32 $1.442695020e+00, v15;
	v14 =	vld.idx.msk [tilespmem:v24+s3+$0x0], $0xffff;
	v24 =	vmul.f32 $1.442695020e+00, v33;
	v16 =	vmax.f32 v16, $-4.000000000e+00  }
0x23b: {  	v27 =	vld.idx.msk [tilespmem:v27+s26+$0x0], $0xffff;
	v33 =	vmul.f32 $1.442695020e+00, v56;
	v26 =	vmax.f32 v26, $-4.000000000e+00;
	v16 =	vmin.f32 v16, $4.000000000e+00  }
0x23c: {  	v61 =	vld.idx.msk [tilespmem:v28+s3+$0x0], $0xffff;
	v26 =	vmin.f32 v26, $4.000000000e+00;
	v16 =	vmul.f32 $1.442695020e+00, v16;
	(erf) = vpow2.f32 v21  }
0x23d: {  	v3 =	vmin.f32 v3, $4.000000000e+00;
	v11 =	vld [tilespmem:s1+$0xFFFFFFF0];
	v26 =	vmul.f32 $1.442695020e+00, v26;
	(erf) = vpow2.f32 v15  }
0x23e: {  	v29 =	vld [tilespmem:s1+$0x10];
	vm12 =	vgt.s32 v22, $0x0;
	(erf) = vpow2.f32 v16;
	vm13 =	vgt.s32 v10, $0x0  }
0x23f: {  	s24 =	simm.s32 $0xC180;
	v31 =	vld [tilespmem:s1+$0x20];
	v21 =	vpop (erf);
	(erf) = vpow2.f32 v26;
	v26 =	vmul.f32 $1.442695020e+00, v3;
	v3 =	vnsel vm13, $0x0, v10  }
0x240: {  	v44 =	vld.idx.msk [tilespmem:v30+s3+$0x0], $0xffff;
	v63 =	vmul.f32 v6, v27;
	[tilespmem:s24+$0x70] =	vst v4;
	v43 =	vnsel vm12, $0x0, v22;
	v22 =	vpop (erf);
	(erf) = vpow2.f32 v24  }
0x241: {  	v46 =	vld.idx.msk [tilespmem:v30+s26+$0x0], $0xffff;
	v30 =	vmul.f32 v9, v61;
	[tilespmem:s24+$0xFFFFFF80] =	vst v20;
	v16 =	vmin.u32 v59, $0x56;
	v20 =	vpop (erf);
	(erf) = vpow2.f32 v33  }
0x242: {  	v28 =	vld.idx.msk [tilespmem:v28+s26+$0x0], $0xffff;
	[tilespmem:s24+$0x0] =	vst v12;
	vm11 =	vgt.s32 v11, $0x0;
	v45 =	vmin.u32 v3, $0x56;
	(erf) = vpow2.f32 v35;
	v3 =	vpop (erf)  }
0x243: {  	[tilespmem:s24+$0xFFFFFFF0] =	vst v23;
	v23 =	vld.idx.msk [tilespmem:v25+s26+$0x0], $0xffff;
	v42 =	vnsel vm11, $0x0, v11;
	v34 =	vmul.f32 v39, v34;
	v4 =	vpop (erf);
	(erf) = vpow2.f32 v36  }
0x244: {  	[tilespmem:s24+$0xFFFFFF90] =	vst v54;
	v25 =	vld.idx.msk [tilespmem:v8+s26+$0x0], $0xffff;
	vm14 =	vgt.s32 v29, $0x0;
	vm15 =	vgt.s32 v31, $0x0;
	v11 =	vpop (erf);
	(erf) = vpow2.f32 v26  }
0x245: {  	[tilespmem:s24+$0x10] =	vst v7;
	v39 =	vnsel vm10, $0x0, v55;
	v29 =	vnsel vm14, $0x0, v29;
	v47 =	vnsel vm15, $0x0, v31;
	v24 =	vld.idx.msk [tilespmem:v8+s3+$0x0], $0xffff;
	v10 =	vpop (erf)  }
0x246: {  	s23 =	simm.s32 $0xC280;
	[tilespmem:s24+$0x20] =	vst v63;
	v31 =	vmul.f32 v5, v41;
	v7 =	vmin.u32 v29, $0x56;
	v29 =	vmul.f32 v18, v46;
	v18 =	vld.idx.msk [tilespmem:v16+s3+$0x0], $0xffff;
	v5 =	vpop (erf)  }
0x247: {  	v28 =	vmul.f32 v13, v28;
	v12 =	vmin.u32 v42, $0x56;
	[tilespmem:s23+$0x70] =	vst v34;
	v15 =	vmin.u32 v39, $0x56;
	v26 =	vld.idx.msk [tilespmem:v45+s3+$0x0], $0xffff;
	v6 =	vpop (erf)  }
0x248: {  	s16 =	simm.s32 $0x4380;
	s15 =	simm.s32 $0x80;
	v8 =	vmin.u32 v43, $0x56;
	v13 =	vmin.u32 v47, $0x56;
	[tilespmem:s24+$0xFFFFFFA0] =	vst v31;
	v31 =	vmul.f32 v17, v44;
	v27 =	vld.idx.msk [tilespmem:v45+s26+$0x0], $0xffff;
	v9 =	vpop (erf)  }
.LBB2_17:
0x249: {  	v32 =	vld [tilespmem:s16+$0x70];
	s15 =	sadd.s32 $0x80, s15;
	s1 =	sadd.s32 $0x80, s1;
	v17 =	vpop (erf);
	[tilespmem:s24+$0xFFFFFFB0] =	vst v30;
	v23 =	vmul.f32 v0, v23  }
0x24a: {  	v24 =	vmul.f32 v1, v24;
	v30 =	vld [tilespmem:s1+$0x30];
	p4 =	slt.u32 s15, $0x200;
	v0 =	vpop (erf);
	[tilespmem:s24+$0x30] =	vst v28  }
0x24b: {  	v25 =	vmul.f32 v2, v25;
	v28 =	vld [tilespmem:s16+$0xFFFFFF80];
	v1 =	vpop (erf);
	[tilespmem:s24+$0xFFFFFFC0] =	vst v31  }
0x24c: {  	v21 =	vmul.f32 v21, v26;
	v31 =	vld [tilespmem:s16+$0x0];
	v2 =	vpop (erf);
	[tilespmem:s24+$0x40] =	vst v29  }
0x24d: {  	v22 =	vmul.f32 v22, v27;
	v26 =	vld [tilespmem:s16+$0xFFFFFF90];
	v27 =	vpop (erf);
	[tilespmem:s24+$0xFFFFFFD0] =	vst v19  }
0x24e: {  	v18 =	vmul.f32 v20, v18;
	v19 =	vld [tilespmem:s16+$0x10];
	v29 =	vmax.f32 v32, $-4.000000000e+00;
	[tilespmem:s23+$0xFFFFFF80] =	vst v21;
	v14 =	vmul.f32 v27, v14  }
0x24f: {  	v20 =	vld [tilespmem:s16+$0xFFFFFFA0];
	vm0 =	vgt.s32 v30, $0x0;
	v21 =	vmin.f32 v29, $4.000000000e+00;
	[tilespmem:s23+$0x0] =	vst v22  }
0x250: {  	v22 =	vmax.f32 v28, $-4.000000000e+00;
	v27 =	vld [tilespmem:s16+$0x20];
	v28 =	vnsel vm0, $0x0, v30;
	v21 =	vmul.f32 $1.442695020e+00, v21;
	[tilespmem:s24+$0x50] =	vst v23  }
0x251: {  	v22 =	vmin.f32 v22, $4.000000000e+00;
	v23 =	vmax.f32 v31, $-4.000000000e+00;
	v29 =	vld [tilespmem:s16+$0xFFFFFFB0];
	v28 =	vmin.u32 v28, $0x56;
	[tilespmem:s24+$0xFFFFFFE0] =	vst v24  }
0x252: {  	v23 =	vmin.f32 v23, $4.000000000e+00;
	v24 =	vmax.f32 v26, $-4.000000000e+00;
	v26 =	vld [tilespmem:s16+$0x30];
	(erf) = vpow2.f32 v21;
	[tilespmem:s24+$0x60] =	vst v25;
	s24 =	smov.u32 s23  }
0x253: {  	v21 =	vmul.f32 $1.442695020e+00, v22;
	v22 =	vmin.f32 v24, $4.000000000e+00;
	v19 =	vmax.f32 v19, $-4.000000000e+00;
	v24 =	vld [tilespmem:s16+$0xFFFFFFC0];
	[tilespmem:s23+$0xFFFFFFF0] =	vst v14  }
0x254: {  	v23 =	vmul.f32 $1.442695020e+00, v23;
	v14 =	vmin.f32 v19, $4.000000000e+00;
	v19 =	vmax.f32 v20, $-4.000000000e+00;
	v20 =	vld [tilespmem:s16+$0x40]  }
0x255: {  	v22 =	vmul.f32 $1.442695020e+00, v22;
	v19 =	vmin.f32 v19, $4.000000000e+00;
	v25 =	vmax.f32 v27, $-4.000000000e+00;
	v27 =	vld [tilespmem:s16+$0xFFFFFFD0]  }
0x256: {  	v30 =	vmul.f32 $1.442695020e+00, v14;
	v14 =	vmin.f32 v25, $4.000000000e+00;
	v25 =	vmax.f32 v29, $-4.000000000e+00;
	v29 =	vld.idx.msk [tilespmem:v28+s26+$0x0], $0xffff  }
0x257: {  	v19 =	vmul.f32 $1.442695020e+00, v19;
	v25 =	vmin.f32 v25, $4.000000000e+00;
	v26 =	vmax.f32 v26, $-4.000000000e+00;
	v31 =	vld [tilespmem:s16+$0x50]  }
0x258: {  	v32 =	vmul.f32 $1.442695020e+00, v14;
	v14 =	vmin.f32 v26, $4.000000000e+00;
	v24 =	vmax.f32 v24, $-4.000000000e+00;
	v26 =	vld [tilespmem:s16+$0xFFFFFFE0]  }
0x259: {  	v25 =	vmul.f32 $1.442695020e+00, v25;
	v24 =	vmin.f32 v24, $4.000000000e+00;
	v38 =	vmax.f32 v20, $-4.000000000e+00;
	v33 =	vld [tilespmem:s16+$0x60]  }
0x25a: {  	v35 =	vmul.f32 $1.442695020e+00, v14;
	v34 =	vld [tilespmem:s1+$0xFFFFFFD0];
	v14 =	vmin.f32 v38, $4.000000000e+00;
	v37 =	vmax.f32 v27, $-4.000000000e+00  }
0x25b: {  	v24 =	vmul.f32 $1.442695020e+00, v24;
	v27 =	vld [tilespmem:s1+$0xFFFFFFE0];
	v36 =	vmul.f32 $1.442695020e+00, v14;
	v14 =	vmin.f32 v37, $4.000000000e+00;
	v20 =	vpop (erf)  }
0x25c: {  	v37 =	vld [tilespmem:s1+$0xFFFFFFF0];
	v38 =	vmul.f32 $1.442695020e+00, v14;
	v14 =	vmax.f32 v31, $-4.000000000e+00;
	v20 =	vmul.f32 v20, v29  }
0x25d: {  	s23 =	sadd.s32 $0x100, s23;
	v14 =	vmin.f32 v14, $4.000000000e+00;
	v26 =	vmax.f32 v26, $-4.000000000e+00;
	v29 =	vld [tilespmem:s16+$0xFFFFFFF0];
	(erf) = vpow2.f32 v21  }
0x25e: {  	v31 =	vmul.f32 $1.442695020e+00, v14;
	v21 =	vmin.f32 v26, $4.000000000e+00;
	v26 =	vmax.f32 v33, $-4.000000000e+00;
	v14 =	vld.idx.msk [tilespmem:v28+s3+$0x0], $0xffff;
	[tilespmem:s23+$0x70] =	vst v20  }
0x25f: {  	v20 =	vld [tilespmem:s1+$0x0];
	v28 =	vmul.f32 $1.442695020e+00, v21;
	v21 =	vmin.f32 v26, $4.000000000e+00;
	(erf) = vpow2.f32 v23  }
0x260: {  	vm0 =	vgt.s32 v34, $0x0;
	v23 =	vld [tilespmem:s1+$0x10];
	v26 =	vmul.f32 $1.442695020e+00, v21;
	(erf) = vpow2.f32 v22  }
0x261: {  	vm1 =	vgt.s32 v27, $0x0;
	vm2 =	vgt.s32 v37, $0x0;
	v22 =	vld [tilespmem:s1+$0x20];
	(erf) = vpow2.f32 v30  }
0x262: {  	v33 =	vnsel vm0, $0x0, v34;
	v30 =	vld [tilespmem:s1+$0xFFFFFFC0];
	v21 =	vmax.f32 v29, $-4.000000000e+00;
	(erf) = vpow2.f32 v19  }
0x263: {  	v19 =	vnsel vm1, $0x0, v27;
	v21 =	vmin.f32 v21, $4.000000000e+00;
	(erf) = vpow2.f32 v32;
	v27 =	vld.idx.msk [tilespmem:v16+s26+$0x0], $0xffff;
	[tilespmem:s24+$0xFFFFFF90] =	vst v18  }
0x264: {  	vm0 =	vgt.s32 v20, $0x0;
	v18 =	vmul.f32 $1.442695020e+00, v21;
	(erf) = vpow2.f32 v25;
	v25 =	vld.idx.msk [tilespmem:v15+s3+$0x0], $0xffff  }
0x265: {  	v29 =	vnsel vm2, $0x0, v37;
	vm1 =	vgt.s32 v23, $0x0;
	(erf) = vpow2.f32 v35;
	v32 =	vld.idx.msk [tilespmem:v15+s26+$0x0], $0xffff  }
0x266: {  	v34 =	vnsel vm0, $0x0, v20;
	vm0 =	vgt.s32 v22, $0x0;
	v21 =	vpop (erf);
	(erf) = vpow2.f32 v24;
	v35 =	vld.idx.msk [tilespmem:v12+s3+$0x0], $0xffff  }
0x267: {  	v24 =	vnsel vm1, $0x0, v23;
	vm2 =	vgt.s32 v30, $0x0;
	(erf) = vpow2.f32 v36;
	v36 =	vld.idx.msk [tilespmem:v12+s26+$0x0], $0xffff  }
0x268: {  	v12 =	vnsel vm2, $0x0, v30;
	v30 =	vnsel vm0, $0x0, v22;
	v22 =	vpop (erf);
	(erf) = vpow2.f32 v38;
	v37 =	vld.idx.msk [tilespmem:v8+s3+$0x0], $0xffff  }
0x269: {  	v16 =	vmin.u32 v33, $0x56;
	v38 =	vmin.u32 v12, $0x56;
	v20 =	vpop (erf);
	(erf) = vpow2.f32 v31;
	v33 =	vld.idx.msk [tilespmem:v8+s26+$0x0], $0xffff  }
0x26a: {  	v15 =	vmin.u32 v19, $0x56;
	v12 =	vmin.u32 v29, $0x56;
	v19 =	vpop (erf);
	(erf) = vpow2.f32 v28;
	v39 =	vld.idx.msk [tilespmem:v7+s3+$0x0], $0xffff  }
0x26b: {  	v8 =	vmin.u32 v34, $0x56;
	v29 =	vpop (erf);
	(erf) = vpow2.f32 v26;
	v23 =	vld.idx.msk [tilespmem:v7+s26+$0x0], $0xffff;
	v7 =	vmin.u32 v24, $0x56  }
.Ltmp11:
0x26c: {  	v34 =	vmin.u32 v30, $0x56;
	v40 =	vpop (erf);
	(erf) = vpow2.f32 v18;
	v18 =	vmul.f32 v3, v27;
	v24 =	vld.idx.msk [tilespmem:v13+s3+$0x0], $0xffff;
	(pc) =	sbr.rel @p4 .LBB2_17-.Ltmp11, $4  }
0x26d: {  	v31 =	vmul.f32 v4, v25;
	v32 =	vmul.f32 v11, v32;
	v3 =	vmov v19;
	v41 =	vpop (erf);
	v25 =	vld.idx.msk [tilespmem:v13+s26+$0x0], $0xffff  }
0x26e: {  	v30 =	vmul.f32 v10, v35;
	v28 =	vmul.f32 v5, v36;
	v4 =	vmov v29;
	v26 =	vld.idx.msk [tilespmem:v38+s3+$0x0], $0xffff;
	[tilespmem:s24+$0x10] =	vst v18;
	v5 =	vpop (erf)  }
0x26f: {  	v13 =	vmov v34;
	v29 =	vmul.f32 v9, v33;
	v27 =	vld.idx.msk [tilespmem:v38+s26+$0x0], $0xffff;
	[tilespmem:s24+$0xFFFFFFA0] =	vst v31;
	v31 =	vmul.f32 v6, v37;
	v6 =	vpop (erf)  }
0x270: {  	s16 =	sadd.s32 $0x100, s16;
	v11 =	vmov v40;
	v10 =	vmov v41;
	v19 =	vmul.f32 v17, v39;
	v18 =	vld.idx.msk [tilespmem:v16+s3+$0x0], $0xffff;
	v9 =	vpop (erf);
	[tilespmem:s24+$0x20] =	vst v32  }
.Ltmp12:
0x271: {  	_ = 	snop;
	(pc) =	sbr.rel .LBB2_18-.Ltmp12, $1  }
0x272: {  	_ =	sdelay $0x3  }
.LBB2_20:
0x273: {  	_ =	sfence.sel $0x180000  }
0x274: {  	[bflag:$0x0] =	sbarrier.arrive $0xFFFF  }
0x275: {  	_ =	strace $0x90000047  }
0x276: {  	s0 =	stileid.u32;
	[bflag:$0x2] =	sbarrier.arrive $0xFFFF  }
0x277: {  	p0 =	sne.s32 s0, $0x0;
	s0 =	rddreg [dreg:$0x4]  }
0x278: {  	s0 =	sadd.s32 @!p0 $0x100000, s0  }
0x279: {  	[sflag:s0] =	ssyncadd.tile.s32 @!p0 $0x1;
	_ =	shalt  }
.Lfunc_end2:
_tile_overlayer_lowered:
.L_overlay_start_2:
0x27a: {  	(tag) =	ssettag $0x2  }
0x27b: {  	s0 =	rddreg [dreg:$0x0];
	s2 =	stileid.u32  }
0x27c: {  	s1 =	rddreg [dreg:$0x1];
	p0 =	sne.s32 s2, $0x0  }
0x27d: {  	s3 =	rddreg [dreg:$0x2];
	[bflag:$0x3] =	sbarrier.arrive $0xFFFF;
	s2 =	simm.s32 @!p0 $0x1C05  }
0x27e: {  	[timem:s3], [sflag:s2] =	dma.local @!p0 [hbm:s0], s1  }
0x27f: {  	s0 =	simm.s32 @!p0 $0x5  }
0x280: {  	_ =	swait.ge @!p0 [sflag:s0], s1  }
0x281: {  	s1 =	ssub.s32 @!p0 $0x0, s1;
	[sflag:s0] =	ssyncset.done @!p0 $0x0  }
0x282: {  	[sflag:s0] =	ssyncadd.s32 @!p0 s1  }
0x283: {  	[bflag:$0x3] =	sbarrier.arrive $0xFFFF  }
0x284: {  	_ =	shalt  }

</sc_bundles>
